<compile_context>
chip_gen: v7x
topology: tpu7x:2x2x1
jax: 0.10.2.dev20260603
libtpu: 0.0.44.dev20260713+nightly
codegen_flags: <defaults>
</compile_context>

<pallas_src>
import jax
import jax.numpy as jnp
from jax.experimental import pallas as pl
from jax.experimental.pallas import tpu as pltpu
from jax.experimental.pallas import tpu_sc as plsc

_K = 8192
_D = 256
_TT = 1152
_N_TOK = 4608
_NT = _N_TOK // _TT
_HW = 576
_B = 8
_COMMIT = 0.25


def _bnorm_body(e_ref, b_ref):
    e = e_ref[...]
    b_ref[...] = jnp.sum(e * e, axis=1)[None, :]


def _bnorm(embed):
    return pl.pallas_call(
        _bnorm_body,
        grid=(4,),
        in_specs=[pl.BlockSpec((_K // 4, _D), lambda i: (i, 0))],
        out_specs=pl.BlockSpec((1, _K // 4), lambda i: (0, i)),
        out_shape=jax.ShapeDtypeStruct((1, _K), jnp.float32),
    )(embed)


def _dist_body(x_ref, e_ref, b_ref, idx_ref, loss_ref, m_ref):
    x = x_ref[...]
    a = jnp.sum(x * x, axis=1, keepdims=True)
    x2 = x + x
    kt_sz = 512
    for kt in range(_K // kt_sz):
        sk = slice(kt * kt_sz, (kt + 1) * kt_sz)
        m_ref[:, sk] = jax.lax.dot_general(
            x2, e_ref[sk, :], (((1,), (1,)), ((), ())),
            preferred_element_type=jnp.float32)

    nslice = _K // 128
    colmin = (a + b_ref[:, 0:128]) - m_ref[:, 0:128]
    colidx = jnp.zeros((_TT, 128), jnp.int32)
    for j in range(1, nslice):
        sl = slice(j * 128, (j + 1) * 128)
        dj = (a + b_ref[:, sl]) - m_ref[:, sl]
        lt = dj < colmin
        colmin = jnp.minimum(colmin, dj)
        colidx = jnp.where(lt, j, colidx)
    lane = jax.lax.broadcasted_iota(jnp.int32, (_TT, 128), 1)
    g = colidx * 128 + lane
    dmin = jnp.min(colmin, axis=1, keepdims=True)
    idx = jnp.min(jnp.where(colmin == dmin, g, _K), axis=1)
    idx_ref[0, 0, :] = idx
    loss_ref[...] = jnp.sum(dmin, axis=0, keepdims=True)[None]


def _compute_indices(flat, embed, b2d):
    nt = flat.shape[0] // _TT
    idx3, loss = pl.pallas_call(
        _dist_body,
        grid=(nt,),
        in_specs=[
            pl.BlockSpec((_TT, _D), lambda i: (i, 0)),
            pl.BlockSpec((_K, _D), lambda i: (0, 0)),
            pl.BlockSpec((1, _K), lambda i: (0, 0)),
        ],
        out_specs=[
            pl.BlockSpec((1, 1, _TT), lambda i: (i, 0, 0)),
            pl.BlockSpec((1, 1, 1), lambda i: (i, 0, 0)),
        ],
        out_shape=[
            jax.ShapeDtypeStruct((nt, 1, _TT), jnp.int32),
            jax.ShapeDtypeStruct((nt, 1, 1), jnp.float32),
        ],
        scratch_shapes=[pltpu.VMEM((_TT, _K), jnp.float32)],
    )(flat, embed, b2d)
    return idx3.reshape(nt * _TT), loss.reshape(1, nt)


_GW = 128


def _sc_gather(embed, idx):
    n = idx.shape[0]
    idx2 = idx.reshape(1, n)
    mesh = plsc.VectorSubcoreMesh(core_axis_name="core",
                                  subcore_axis_name="subcore")

    @pl.kernel(out_type=jax.ShapeDtypeStruct((n, _D), jnp.float32),
               mesh=mesh)
    def k(e_hbm, i_hbm, o_hbm):
        def body(i_vmem, o_vmem):
            pltpu.sync_copy(e_hbm.at[i_vmem.at[0]], o_vmem)

        pltpu.emit_pipeline(
            body,
            grid=(n // _GW,),
            in_specs=[pl.BlockSpec((1, _GW), lambda i: (0, i))],
            out_specs=[pl.BlockSpec((_GW, _D), lambda i: (i, 0))],
            core_axis_name=("core", "subcore"),
            dimension_semantics=(pltpu.PARALLEL,),
        )(i_hbm, o_hbm)

    return k(embed, idx2)


def _transpose_loss_body(q_ref, lp_ref, o_ref, loss_ref):
    b = pl.program_id(0)

    @pl.when(b == 0)
    def _():
        scale = _COMMIT / float(_N_TOK * _D)
        loss_ref[...] = jnp.sum(lp_ref[...], axis=1, keepdims=True) * scale

    o_ref[...] = jnp.transpose(q_ref[...], (0, 2, 1))


def _transpose_loss(qflat, loss_parts, nb):
    q3 = qflat.reshape(nb, _HW, _D)
    return pl.pallas_call(
        _transpose_loss_body,
        grid=(nb,),
        in_specs=[pl.BlockSpec((1, _HW, _D), lambda b: (b, 0, 0)),
                  pl.BlockSpec((1, _NT), lambda b: (0, 0))],
        out_specs=[pl.BlockSpec((1, _D, _HW), lambda b: (b, 0, 0)),
                   pl.BlockSpec((1, 1), lambda b: (0, 0))],
        out_shape=[jax.ShapeDtypeStruct((nb, _D, _HW), jnp.float32),
                   jax.ShapeDtypeStruct((1, 1), jnp.float32)],
    )(q3, loss_parts)


def kernel(z_e, embed_weight):
    B, D, H, W = z_e.shape
    flat = jnp.transpose(z_e, (0, 2, 3, 1)).reshape(-1, D)
    b2d = _bnorm(embed_weight)
    idx, lp = _compute_indices(flat, embed_weight, b2d)
    q = _sc_gather(embed_weight, idx)
    qt, loss2d = _transpose_loss(q, lp, B)
    quantized_st = qt.reshape(B, D, H, W)
    indices = idx.reshape(B, H * W)
    return quantized_st, indices, loss2d.reshape(())

# --- scband reference (transcript-rebuilt; emitter-appended) ---
"""Pipeline reference for scband-vector-quantizer-ema-87368224735733 (READ-ONLY COPY).

The authoritative reference and input builder live on the scoring server;
editing this copy changes nothing except your own understanding.
"""

import jax, jax.numpy as jnp
import numpy as np

NUM_EMBEDDINGS = 8192
EMBEDDING_DIM = 256
COMMITMENT_COEF = 0.25


def setup_inputs(seed: int = 0) -> dict:
    key = jax.random.key(seed)
    k1, k2 = jax.random.split(key)
    z_e = jax.random.normal(k1, (8, EMBEDDING_DIM, 24, 24), dtype=jnp.float32)
    embed_weight = jax.random.uniform(
        k2, (NUM_EMBEDDINGS, EMBEDDING_DIM),
        minval=-1.0 / NUM_EMBEDDINGS, maxval=1.0 / NUM_EMBEDDINGS,
        dtype=jnp.float32)
    return {"z_e": z_e, "embed_weight": embed_weight}


def reference(z_e, embed_weight):
    B, D, H, W = z_e.shape
    # [B, D, H, W] -> [B, H, W, D] -> [B*H*W, D]
    flat_input = jnp.transpose(z_e, (0, 2, 3, 1)).reshape(-1, D)
    distances = (
        jnp.sum(flat_input ** 2, axis=1, keepdims=True)
        + jnp.sum(embed_weight ** 2, axis=1)
        - 2.0 * jnp.matmul(flat_input, embed_weight.T)
    )
    encoding_indices = jnp.argmin(distances, axis=1)
    quantized = jnp.take(embed_weight, encoding_indices, axis=0)
    quantized = quantized.reshape(B, H, W, D)
    quantized = jnp.transpose(quantized, (0, 3, 1, 2))
    # eval mode: no EMA update
    commitment_loss = jnp.mean((jax.lax.stop_gradient(quantized) - z_e) ** 2)
    quantized_st = z_e + jax.lax.stop_gradient(quantized - z_e)
    indices = encoding_indices.reshape(B, H * W)
    return (quantized_st, indices, commitment_loss * COMMITMENT_COEF)

if __name__ == "__main__":
    import jax
    _d = setup_inputs()
    print(jax.jit(kernel)(*tuple(_d.values())))

</pallas_src>

<mosaic_0001>
#map = affine_map<(d0, d1) -> (0, 0)>
module attributes {stable_mosaic.version = 14 : i64} {
  func.func @k(%arg0: i32, %arg1: i32, %arg2: memref<8192x256xf32, #tpu.memory_space<hbm>>, %arg3: memref<1x4608xi32, #tpu.memory_space<hbm>>, %arg4: memref<4608x256xf32, #tpu.memory_space<hbm>>) attributes {dimension_semantics = [#tpu.dimension_semantics<core_parallel>, #tpu.dimension_semantics<subcore_parallel>], iteration_bounds = array<i64: 2, 16>, scalar_prefetch = 0 : i64, scratch_operands = 0 : i64, tpu.core_type = #tpu.core_type<sc_vector_subcore>, window_params = [{transform_indices = #map}, {transform_indices = #map}, {transform_indices = #map}]} {
    %mul3A = arith.constant 1 : i32
    %mul3A_0 = arith.muli %arg1, %mul3A : i32
    %add3A = arith.constant 0 : i32
    %add3A_1 = arith.addi %add3A, %mul3A_0 : i32
    %mul3A_2 = arith.constant 16 : i32
    %mul3A_3 = arith.muli %arg0, %mul3A_2 : i32
    %add3A_4 = arith.addi %add3A_1, %mul3A_3 : i32
    %lt3A = arith.constant 4 : i32
    %lt3A_5 = arith.cmpi slt, %add3A_4, %lt3A : i32
    %jit3A = arith.constant 2 : i32
    %jit3A_6 = arith.constant 1 : i32
    %select_n3A = arith.select %lt3A_5, %jit3A, %jit3A_6 : i32
    %lt3A_7 = arith.constant 4 : i32
    %lt3A_8 = arith.cmpi slt, %add3A_4, %lt3A_7 : i32
    %mul3A_9 = arith.muli %add3A_4, %select_n3A : i32
    %mul3A_10 = arith.constant 1 : i32
    %mul3A_11 = arith.muli %add3A_4, %mul3A_10 : i32
    %add3A_12 = arith.constant 4 : i32
    %add3A_13 = arith.addi %mul3A_11, %add3A_12 : i32
    %select_n3A_14 = arith.select %lt3A_8, %mul3A_9, %add3A_13 : i32
    %mul3A_15 = arith.constant 1 : i32
    %mul3A_16 = arith.muli %mul3A_15, %select_n3A : i32
    "tpu.region"() ({
      %run_scoped3A = memref.alloca() : memref<2x1x128xi32, #tpu.memory_space<vmem>>
      %run_scoped3A_17 = tpu.sem_alloc : memref<2x!tpu.dma_semaphore, #tpu.memory_space<semaphore_mem>>
      %run_scoped3A_18 = memref.alloca() : memref<2x128x256xf32, #tpu.memory_space<vmem>>
      %run_scoped3A_19 = tpu.sem_alloc : memref<2x!tpu.dma_semaphore, #tpu.memory_space<semaphore_mem>>
      %gt3A = arith.constant 0 : i32
      %gt3A_20 = arith.cmpi sgt, %mul3A_16, %gt3A : i32
      %convert_element_type3A = arith.extui %gt3A_20 : i1 to i32
      %cond3A = arith.constant 0 : i32
      %cond3A_21 = arith.cmpi ne, %convert_element_type3A, %cond3A : i32
      scf.if %cond3A_21 {
        %mul3A_22 = arith.constant 1 : i32
        %mul3A_23 = arith.muli %mul3A_22, %select_n3A : i32
        %sub3A = arith.constant 1 : i32
        %sub3A_24 = arith.subi %mul3A_23, %sub3A : i32
        %eq3A = arith.constant 0 : i32
        %eq3A_25 = arith.cmpi eq, %sub3A_24, %eq3A : i32
        %add3A_26 = arith.constant 0 : i32
        %add3A_27 = arith.addi %add3A_26, %select_n3A_14 : i32
        %select_n3A_28 = arith.constant true
        %select_n3A_29 = arith.constant 0 : i32
        %select_n3A_30 = arith.constant -1 : i32
        %select_n3A_31 = arith.select %select_n3A_28, %select_n3A_30, %select_n3A_29 : i32
        %eq3A_32 = arith.constant -1 : i32
        %eq3A_33 = arith.cmpi eq, %select_n3A_31, %eq3A_32 : i32
        %sub3A_34 = arith.constant 1 : i32
        %sub3A_35 = arith.subi %select_n3A, %sub3A_34 : i32
        %select_n3A_36 = arith.select %eq3A_33, %sub3A_35, %select_n3A_31 : i32
        %add3A_37 = arith.addi %select_n3A_36, %select_n3A_14 : i32
        %select_n3A_38 = arith.constant true
        %select_n3A_39 = arith.constant 0 : i32
        %select_n3A_40 = arith.constant 1 : i32
        %select_n3A_41 = arith.select %select_n3A_38, %select_n3A_40, %select_n3A_39 : i32
        %eq3A_42 = arith.cmpi eq, %select_n3A_41, %select_n3A : i32
        %select_n3A_43 = arith.constant 0 : i32
        %select_n3A_44 = arith.select %eq3A_42, %select_n3A_43, %select_n3A_41 : i32
        %add3A_45 = arith.addi %select_n3A_44, %select_n3A_14 : i32
        %add3A_46 = arith.constant 1 : i32
        %add3A_47 = arith.addi %select_n3A_44, %add3A_46 : i32
        %select_n3A_48 = arith.constant true
        %select_n3A_49 = arith.select %select_n3A_48, %add3A_47, %select_n3A_44 : i32
        %eq3A_50 = arith.cmpi eq, %select_n3A_49, %select_n3A : i32
        %select_n3A_51 = arith.constant 0 : i32
        %select_n3A_52 = arith.select %eq3A_50, %select_n3A_51, %select_n3A_49 : i32
        %add3A_53 = arith.addi %select_n3A_52, %select_n3A_14 : i32
        "tpu.trace_start"() <{level = 10 : i32, message = "ep_initialize_0"}> : () -> ()
        %rem3A = arith.constant 0 : i32
        %rem3A_54 = arith.constant 2 : i32
        %rem3A_55 = arith.remui %rem3A, %rem3A_54 : i32
        %mul3A_56 = arith.constant 128 : i32
        %mul3A_57 = arith.muli %mul3A_56, %add3A_27 : i32
        %dma_start3A = arith.constant 0 : i32
        %dma_start3A_58 = arith.constant 0 : i32
        %dma_start3A_59 = tpu.memref_slice %run_scoped3A[%rem3A_55, %dma_start3A, %dma_start3A_58] : memref<2x1x128xi32, #tpu.memory_space<vmem>> -> memref<1x1x128xi32, #tpu.memory_space<vmem>>
        %dma_start3A_60 = tpu.memref_squeeze %dma_start3A_59 : memref<1x1x128xi32, #tpu.memory_space<vmem>> -> memref<1x128xi32, #tpu.memory_space<vmem>>
        %dma_start3A_61 = arith.constant 0 : i32
        %dma_start3A_62 = tpu.memref_slice %arg3[%dma_start3A_61, %mul3A_57] : memref<1x4608xi32, #tpu.memory_space<hbm>> -> memref<1x128xi32, #tpu.memory_space<hbm>>
        %dma_start3A_63 = tpu.memref_slice %run_scoped3A_17[%rem3A_55] : memref<2x!tpu.dma_semaphore, #tpu.memory_space<semaphore_mem>> -> memref<1x!tpu.dma_semaphore, #tpu.memory_space<semaphore_mem>>
        %dma_start3A_64 = tpu.memref_squeeze %dma_start3A_63 : memref<1x!tpu.dma_semaphore, #tpu.memory_space<semaphore_mem>> -> memref<!tpu.dma_semaphore, #tpu.memory_space<semaphore_mem>>
        %dma_start3A_65 = arith.constant 0 : i32
        %dma_start3A_66 = arith.constant 0 : i32
        %dma_start3A_67 = tpu.memref_slice %run_scoped3A[%rem3A_55, %dma_start3A_65, %dma_start3A_66] : memref<2x1x128xi32, #tpu.memory_space<vmem>> -> memref<1x1x128xi32, #tpu.memory_space<vmem>>
        %dma_start3A_68 = tpu.memref_squeeze %dma_start3A_67 : memref<1x1x128xi32, #tpu.memory_space<vmem>> -> memref<1x128xi32, #tpu.memory_space<vmem>>
        %dma_start3A_69 = arith.constant 0 : i32
        %dma_start3A_70 = tpu.memref_slice %arg3[%dma_start3A_69, %mul3A_57] : memref<1x4608xi32, #tpu.memory_space<hbm>> -> memref<1x128xi32, #tpu.memory_space<hbm>>
        tpu.enqueue_dma source(%dma_start3A_70 : memref<1x128xi32, #tpu.memory_space<hbm>>) target(%dma_start3A_68 : memref<1x128xi32, #tpu.memory_space<vmem>>) target_semaphore(%dma_start3A_64 : memref<!tpu.dma_semaphore, #tpu.memory_space<semaphore_mem>>)
        %add3A_71 = arith.constant 0 : i32
        %add3A_72 = arith.constant 1 : i32
        %add3A_73 = arith.addi %add3A_71, %add3A_72 : i32
        %select_n3A_74 = arith.constant true
        %select_n3A_75 = arith.constant 0 : i32
        %select_n3A_76 = arith.select %select_n3A_74, %add3A_73, %select_n3A_75 : i32
        %while3A = arith.constant 0 : i32
        %while3A_77 = arith.constant 0 : i32
        %while3A_78 = arith.constant 0 : i32
        %while3A_79 = arith.constant 0 : i32
        %while3A_80 = arith.constant 0 : i32
        "tpu.trace_stop"() : () -> ()
        %while3A_81 = arith.subi %mul3A_16, %while3A : i32
        %while3A_82 = arith.addi %while3A, %while3A_81 : i32
        %while3A_83 = arith.constant 1 : i32
        %while3A_84 = arith.divsi %while3A_81, %while3A_83 : i32
        %while3A_85 = arith.muli %while3A_84, %while3A_83 : i32
        %while3A_86 = arith.addi %while3A, %while3A_85 : i32
        %while3A_87 = arith.constant 1 : i32
        %while3A_88:5 = scf.for %while3A_142 = %while3A to %while3A_86 step %while3A_87 iter_args(%while3A_143 = %select_n3A_76, %while3A_144 = %while3A_77, %while3A_145 = %while3A_78, %while3A_146 = %while3A_79, %while3A_147 = %while3A_80) -> (i32, i32, i32, i32, i32)  : i32 {
          %mul3A_148 = arith.constant 1 : i32
          %mul3A_149 = arith.muli %mul3A_148, %select_n3A : i32
          %eq3A_150 = arith.constant 0 : i32
          %eq3A_151 = arith.cmpi eq, %while3A_142, %eq3A_150 : i32
          %sub3A_152 = arith.constant 1 : i32
          %sub3A_153 = arith.subi %mul3A_149, %sub3A_152 : i32
          %eq3A_154 = arith.cmpi eq, %while3A_142, %sub3A_153 : i32
          %add3A_155 = arith.addi %while3A_147, %select_n3A_14 : i32
          %sub3A_156 = arith.constant 1 : i32
          %sub3A_157 = arith.subi %while3A_147, %sub3A_156 : i32
          %select_n3A_158 = arith.constant true
          %select_n3A_159 = arith.select %select_n3A_158, %sub3A_157, %while3A_147 : i32
          %eq3A_160 = arith.constant -1 : i32
          %eq3A_161 = arith.cmpi eq, %select_n3A_159, %eq3A_160 : i32
          %sub3A_162 = arith.constant 1 : i32
          %sub3A_163 = arith.subi %select_n3A, %sub3A_162 : i32
          %select_n3A_164 = arith.select %eq3A_161, %sub3A_163, %select_n3A_159 : i32
          %add3A_165 = arith.addi %select_n3A_164, %select_n3A_14 : i32
          %add3A_166 = arith.constant 1 : i32
          %add3A_167 = arith.addi %while3A_147, %add3A_166 : i32
          %select_n3A_168 = arith.constant true
          %select_n3A_169 = arith.select %select_n3A_168, %add3A_167, %while3A_147 : i32
          %eq3A_170 = arith.cmpi eq, %select_n3A_169, %select_n3A : i32
          %select_n3A_171 = arith.constant 0 : i32
          %select_n3A_172 = arith.select %eq3A_170, %select_n3A_171, %select_n3A_169 : i32
          %add3A_173 = arith.addi %select_n3A_172, %select_n3A_14 : i32
          %add3A_174 = arith.constant 1 : i32
          %add3A_175 = arith.addi %select_n3A_172, %add3A_174 : i32
          %select_n3A_176 = arith.constant true
          %select_n3A_177 = arith.select %select_n3A_176, %add3A_175, %select_n3A_172 : i32
          %eq3A_178 = arith.cmpi eq, %select_n3A_177, %select_n3A : i32
          %select_n3A_179 = arith.constant 0 : i32
          %select_n3A_180 = arith.select %eq3A_178, %select_n3A_179, %select_n3A_177 : i32
          %add3A_181 = arith.addi %select_n3A_180, %select_n3A_14 : i32
          %ne3A = arith.cmpi ne, %add3A_155, %add3A_173 : i32
          %or3A = arith.constant false
          %or3A_182 = arith.ori %or3A, %ne3A : i1
          %sub3A_183 = arith.constant 2 : i32
          %sub3A_184 = arith.subi %mul3A_149, %sub3A_183 : i32
          %add3A_185 = arith.constant 1 : i32
          %add3A_186 = arith.addi %sub3A_184, %add3A_185 : i32
          %ge3A = arith.cmpi sge, %while3A_142, %add3A_186 : i32
          %not3A = arith.constant true
          %not3A_187 = arith.xori %ge3A, %not3A : i1
          %and3A = arith.andi %or3A_182, %not3A_187 : i1
          %convert_element_type3A_188 = arith.extui %and3A : i1 to i32
          %cond3A_189 = arith.constant 0 : i32
          %cond3A_190 = arith.cmpi ne, %convert_element_type3A_188, %cond3A_189 : i32
          scf.if %cond3A_190 {
            "tpu.trace_start"() <{level = 10 : i32, message = "ep_copy_in"}> : () -> ()
            %rem3A_294 = arith.constant 2 : i32
            %rem3A_295 = arith.remui %while3A_143, %rem3A_294 : i32
            %mul3A_296 = arith.constant 128 : i32
            %mul3A_297 = arith.muli %mul3A_296, %add3A_173 : i32
            %dma_start3A_298 = arith.constant 0 : i32
            %dma_start3A_299 = arith.constant 0 : i32
            %dma_start3A_300 = tpu.memref_slice %run_scoped3A[%rem3A_295, %dma_start3A_298, %dma_start3A_299] : memref<2x1x128xi32, #tpu.memory_space<vmem>> -> memref<1x1x128xi32, #tpu.memory_space<vmem>>
            %dma_start3A_301 = tpu.memref_squeeze %dma_start3A_300 : memref<1x1x128xi32, #tpu.memory_space<vmem>> -> memref<1x128xi32, #tpu.memory_space<vmem>>
            %dma_start3A_302 = arith.constant 0 : i32
            %dma_start3A_303 = tpu.memref_slice %arg3[%dma_start3A_302, %mul3A_297] : memref<1x4608xi32, #tpu.memory_space<hbm>> -> memref<1x128xi32, #tpu.memory_space<hbm>>
            %dma_start3A_304 = tpu.memref_slice %run_scoped3A_17[%rem3A_295] : memref<2x!tpu.dma_semaphore, #tpu.memory_space<semaphore_mem>> -> memref<1x!tpu.dma_semaphore, #tpu.memory_space<semaphore_mem>>
            %dma_start3A_305 = tpu.memref_squeeze %dma_start3A_304 : memref<1x!tpu.dma_semaphore, #tpu.memory_space<semaphore_mem>> -> memref<!tpu.dma_semaphore, #tpu.memory_space<semaphore_mem>>
            %dma_start3A_306 = arith.constant 0 : i32
            %dma_start3A_307 = arith.constant 0 : i32
            %dma_start3A_308 = tpu.memref_slice %run_scoped3A[%rem3A_295, %dma_start3A_306, %dma_start3A_307] : memref<2x1x128xi32, #tpu.memory_space<vmem>> -> memref<1x1x128xi32, #tpu.memory_space<vmem>>
            %dma_start3A_309 = tpu.memref_squeeze %dma_start3A_308 : memref<1x1x128xi32, #tpu.memory_space<vmem>> -> memref<1x128xi32, #tpu.memory_space<vmem>>
            %dma_start3A_310 = arith.constant 0 : i32
            %dma_start3A_311 = tpu.memref_slice %arg3[%dma_start3A_310, %mul3A_297] : memref<1x4608xi32, #tpu.memory_space<hbm>> -> memref<1x128xi32, #tpu.memory_space<hbm>>
            tpu.enqueue_dma source(%dma_start3A_311 : memref<1x128xi32, #tpu.memory_space<hbm>>) target(%dma_start3A_309 : memref<1x128xi32, #tpu.memory_space<vmem>>) target_semaphore(%dma_start3A_305 : memref<!tpu.dma_semaphore, #tpu.memory_space<semaphore_mem>>)
            "tpu.trace_stop"() : () -> ()
          } else {
          }
          %and3A_191 = arith.constant true
          %and3A_192 = arith.andi %and3A, %and3A_191 : i1
          %add3A_193 = arith.constant 1 : i32
          %add3A_194 = arith.addi %while3A_143, %add3A_193 : i32
          %select_n3A_195 = arith.select %and3A_192, %add3A_194, %while3A_143 : i32
          %ne3A_196 = arith.cmpi ne, %add3A_155, %add3A_173 : i32
          %or3A_197 = arith.constant false
          %or3A_198 = arith.ori %or3A_197, %ne3A_196 : i1
          %or3A_199 = arith.constant false
          %or3A_200 = arith.ori %or3A_198, %or3A_199 : i1
          %sub3A_201 = arith.constant 2 : i32
          %sub3A_202 = arith.subi %mul3A_149, %sub3A_201 : i32
          %add3A_203 = arith.constant 1 : i32
          %add3A_204 = arith.addi %sub3A_202, %add3A_203 : i32
          %ge3A_205 = arith.cmpi sge, %while3A_142, %add3A_204 : i32
          %not3A_206 = arith.constant true
          %not3A_207 = arith.xori %ge3A_205, %not3A_206 : i1
          %and3A_208 = arith.andi %or3A_200, %not3A_207 : i1
          %ne3A_209 = arith.cmpi ne, %add3A_155, %add3A_165 : i32
          %or3A_210 = arith.constant false
          %or3A_211 = arith.ori %or3A_210, %ne3A_209 : i1
          %or3A_212 = arith.ori %or3A_211, %eq3A_151 : i1
          %convert_element_type3A_213 = arith.extui %or3A_212 : i1 to i32
          %cond3A_214 = arith.constant 0 : i32
          %cond3A_215 = arith.cmpi ne, %convert_element_type3A_213, %cond3A_214 : i32
          scf.if %cond3A_215 {
            "tpu.trace_start"() <{level = 10 : i32, message = "ep_wait_in"}> : () -> ()
            %mul3A_294 = arith.constant 128 : i32
            %mul3A_295 = arith.muli %mul3A_294, %add3A_155 : i32
            %rem3A_296 = arith.constant 2 : i32
            %rem3A_297 = arith.remui %while3A_144, %rem3A_296 : i32
            %dma_wait3A = arith.constant 0 : i32
            %dma_wait3A_298 = arith.constant 0 : i32
            %dma_wait3A_299 = tpu.memref_slice %run_scoped3A[%rem3A_297, %dma_wait3A, %dma_wait3A_298] : memref<2x1x128xi32, #tpu.memory_space<vmem>> -> memref<1x1x128xi32, #tpu.memory_space<vmem>>
            %dma_wait3A_300 = tpu.memref_squeeze %dma_wait3A_299 : memref<1x1x128xi32, #tpu.memory_space<vmem>> -> memref<1x128xi32, #tpu.memory_space<vmem>>
            %dma_wait3A_301 = arith.constant 0 : i32
            %dma_wait3A_302 = tpu.memref_slice %arg3[%dma_wait3A_301, %mul3A_295] : memref<1x4608xi32, #tpu.memory_space<hbm>> -> memref<1x128xi32, #tpu.memory_space<hbm>>
            %dma_wait3A_303 = tpu.memref_slice %run_scoped3A_17[%rem3A_297] : memref<2x!tpu.dma_semaphore, #tpu.memory_space<semaphore_mem>> -> memref<1x!tpu.dma_semaphore, #tpu.memory_space<semaphore_mem>>
            %dma_wait3A_304 = tpu.memref_squeeze %dma_wait3A_303 : memref<1x!tpu.dma_semaphore, #tpu.memory_space<semaphore_mem>> -> memref<!tpu.dma_semaphore, #tpu.memory_space<semaphore_mem>>
            %dma_wait3A_305 = arith.constant 0 : i32
            %dma_wait3A_306 = arith.constant 0 : i32
            %dma_wait3A_307 = tpu.memref_slice %run_scoped3A[%rem3A_297, %dma_wait3A_305, %dma_wait3A_306] : memref<2x1x128xi32, #tpu.memory_space<vmem>> -> memref<1x1x128xi32, #tpu.memory_space<vmem>>
            %dma_wait3A_308 = tpu.memref_squeeze %dma_wait3A_307 : memref<1x1x128xi32, #tpu.memory_space<vmem>> -> memref<1x128xi32, #tpu.memory_space<vmem>>
            %dma_wait3A_309 = arith.constant 0 : i32
            %dma_wait3A_310 = tpu.memref_slice %arg3[%dma_wait3A_309, %mul3A_295] : memref<1x4608xi32, #tpu.memory_space<hbm>> -> memref<1x128xi32, #tpu.memory_space<hbm>>
            tpu.wait_dma2 semaphore(%dma_wait3A_304 : memref<!tpu.dma_semaphore, #tpu.memory_space<semaphore_mem>>) src(%dma_wait3A_310 : memref<1x128xi32, #tpu.memory_space<hbm>>) dst(%dma_wait3A_308 : memref<1x128xi32, #tpu.memory_space<vmem>>)
            "tpu.trace_stop"() : () -> ()
          } else {
          }
          %ne3A_216 = arith.cmpi ne, %add3A_155, %add3A_165 : i32
          %or3A_217 = arith.constant false
          %or3A_218 = arith.ori %or3A_217, %ne3A_216 : i1
          %or3A_219 = arith.constant false
          %or3A_220 = arith.ori %or3A_218, %or3A_219 : i1
          %or3A_221 = arith.ori %or3A_220, %eq3A_151 : i1
          %convert_element_type3A_222 = arith.extui %or3A_221 : i1 to i32
          %cond3A_223 = arith.constant 0 : i32
          %cond3A_224 = arith.cmpi ne, %convert_element_type3A_222, %cond3A_223 : i32
          scf.if %cond3A_224 {
          } else {
          }
          %rem3A_225 = arith.constant 2 : i32
          %rem3A_226 = arith.remui %while3A_144, %rem3A_225 : i32
          %rem3A_227 = arith.constant 2 : i32
          %rem3A_228 = arith.remui %while3A_145, %rem3A_227 : i32
          %run_scoped3A_229 = arith.constant 0 : i32
          "tpu.trace_start"() <{level = 10 : i32, message = "ep_run_kernel"}> : () -> ()
          "tpu.region"() ({
            %run_scoped3A_294 = tpu.sem_alloc : memref<!tpu.dma_semaphore, #tpu.memory_space<semaphore_mem>>
            %dma_start3A_295 = arith.constant 0 : i32
            %dma_start3A_296 = arith.constant 0 : i32
            %dma_start3A_297 = tpu.memref_slice %run_scoped3A_18[%rem3A_228, %dma_start3A_295, %dma_start3A_296] : memref<2x128x256xf32, #tpu.memory_space<vmem>> -> memref<1x128x256xf32, #tpu.memory_space<vmem>>
            %dma_start3A_298 = tpu.memref_squeeze %dma_start3A_297 : memref<1x128x256xf32, #tpu.memory_space<vmem>> -> memref<128x256xf32, #tpu.memory_space<vmem>>
            %dma_start3A_299 = arith.constant 0 : i32
            %dma_start3A_300 = arith.constant 0 : i32
            %dma_start3A_301 = tpu.memref_slice %run_scoped3A[%rem3A_226, %dma_start3A_299, %dma_start3A_300] : memref<2x1x128xi32, #tpu.memory_space<vmem>> -> memref<1x1x128xi32, #tpu.memory_space<vmem>>
            %dma_start3A_302 = tpu.memref_squeeze %dma_start3A_301 : memref<1x1x128xi32, #tpu.memory_space<vmem>> -> memref<1x128xi32, #tpu.memory_space<vmem>>
            %dma_start3A_303 = arith.constant 0 : i32
            %dma_start3A_304 = tpu.memref_slice %dma_start3A_302[%run_scoped3A_229, %dma_start3A_303] : memref<1x128xi32, #tpu.memory_space<vmem>> -> memref<1x128xi32, #tpu.memory_space<vmem>>
            %dma_start3A_305 = tpu.memref_squeeze %dma_start3A_304 : memref<1x128xi32, #tpu.memory_space<vmem>> -> memref<128xi32, #tpu.memory_space<vmem>>
            %dma_start3A_306 = arith.constant 0 : i32
            %dma_start3A_307 = arith.constant 0 : i32
            %dma_start3A_308 = tpu.memref_slice %arg2[%dma_start3A_306, %dma_start3A_307] : memref<8192x256xf32, #tpu.memory_space<hbm>> -> memref<8192x256xf32, #tpu.memory_space<hbm>>
            tpu.enqueue_indirect_dma source(%dma_start3A_308 : memref<8192x256xf32, #tpu.memory_space<hbm>>) target(%dma_start3A_298 : memref<128x256xf32, #tpu.memory_space<vmem>>) offsets(%dma_start3A_305 : memref<128xi32, #tpu.memory_space<vmem>>) semaphore(%run_scoped3A_294 : memref<!tpu.dma_semaphore, #tpu.memory_space<semaphore_mem>>)
            %dma_wait3A = arith.constant 0 : i32
            %dma_wait3A_309 = arith.constant 0 : i32
            %dma_wait3A_310 = tpu.memref_slice %run_scoped3A_18[%rem3A_228, %dma_wait3A, %dma_wait3A_309] : memref<2x128x256xf32, #tpu.memory_space<vmem>> -> memref<1x128x256xf32, #tpu.memory_space<vmem>>
            %dma_wait3A_311 = tpu.memref_squeeze %dma_wait3A_310 : memref<1x128x256xf32, #tpu.memory_space<vmem>> -> memref<128x256xf32, #tpu.memory_space<vmem>>
            %dma_wait3A_312 = arith.constant 0 : i32
            %dma_wait3A_313 = arith.constant 0 : i32
            %dma_wait3A_314 = tpu.memref_slice %run_scoped3A[%rem3A_226, %dma_wait3A_312, %dma_wait3A_313] : memref<2x1x128xi32, #tpu.memory_space<vmem>> -> memref<1x1x128xi32, #tpu.memory_space<vmem>>
            %dma_wait3A_315 = tpu.memref_squeeze %dma_wait3A_314 : memref<1x1x128xi32, #tpu.memory_space<vmem>> -> memref<1x128xi32, #tpu.memory_space<vmem>>
            %dma_wait3A_316 = arith.constant 0 : i32
            %dma_wait3A_317 = tpu.memref_slice %dma_wait3A_315[%run_scoped3A_229, %dma_wait3A_316] : memref<1x128xi32, #tpu.memory_space<vmem>> -> memref<1x128xi32, #tpu.memory_space<vmem>>
            %dma_wait3A_318 = tpu.memref_squeeze %dma_wait3A_317 : memref<1x128xi32, #tpu.memory_space<vmem>> -> memref<128xi32, #tpu.memory_space<vmem>>
            %dma_wait3A_319 = arith.constant 0 : i32
            %dma_wait3A_320 = arith.constant 0 : i32
            %dma_wait3A_321 = tpu.memref_slice %arg2[%dma_wait3A_319, %dma_wait3A_320] : memref<8192x256xf32, #tpu.memory_space<hbm>> -> memref<8192x256xf32, #tpu.memory_space<hbm>>
            tpu.wait_indirect_dma semaphore(%run_scoped3A_294 : memref<!tpu.dma_semaphore, #tpu.memory_space<semaphore_mem>>) src(%dma_wait3A_321 : memref<8192x256xf32, #tpu.memory_space<hbm>>) dst(%dma_wait3A_311 : memref<128x256xf32, #tpu.memory_space<vmem>>)
            tpu.yield
          }) : () -> ()
          "tpu.trace_stop"() : () -> ()
          %ne3A_230 = arith.cmpi ne, %add3A_155, %add3A_173 : i32
          %or3A_231 = arith.constant false
          %or3A_232 = arith.ori %or3A_231, %ne3A_230 : i1
          %or3A_233 = arith.ori %or3A_232, %eq3A_154 : i1
          %convert_element_type3A_234 = arith.extui %or3A_233 : i1 to i32
          %cond3A_235 = arith.constant 0 : i32
          %cond3A_236 = arith.cmpi ne, %convert_element_type3A_234, %cond3A_235 : i32
          scf.if %cond3A_236 {
          } else {
          }
          %and3A_237 = arith.constant false
          %and3A_238 = arith.andi %or3A_233, %and3A_237 : i1
          %ne3A_239 = arith.cmpi ne, %add3A_155, %add3A_173 : i32
          %or3A_240 = arith.constant false
          %or3A_241 = arith.ori %or3A_240, %ne3A_239 : i1
          %or3A_242 = arith.constant false
          %or3A_243 = arith.ori %or3A_241, %or3A_242 : i1
          %or3A_244 = arith.ori %or3A_243, %eq3A_154 : i1
          %convert_element_type3A_245 = arith.extui %or3A_244 : i1 to i32
          %cond3A_246 = arith.constant 0 : i32
          %cond3A_247 = arith.cmpi ne, %convert_element_type3A_245, %cond3A_246 : i32
          scf.if %cond3A_247 {
            "tpu.trace_start"() <{level = 10 : i32, message = "ep_copy_out"}> : () -> ()
            %rem3A_294 = arith.constant 2 : i32
            %rem3A_295 = arith.remui %while3A_145, %rem3A_294 : i32
            %mul3A_296 = arith.constant 128 : i32
            %mul3A_297 = arith.muli %mul3A_296, %add3A_155 : i32
            %dma_start3A_298 = arith.constant 0 : i32
            %dma_start3A_299 = arith.constant 0 : i32
            %dma_start3A_300 = tpu.memref_slice %run_scoped3A_18[%rem3A_295, %dma_start3A_298, %dma_start3A_299] : memref<2x128x256xf32, #tpu.memory_space<vmem>> -> memref<1x128x256xf32, #tpu.memory_space<vmem>>
            %dma_start3A_301 = tpu.memref_squeeze %dma_start3A_300 : memref<1x128x256xf32, #tpu.memory_space<vmem>> -> memref<128x256xf32, #tpu.memory_space<vmem>>
            %dma_start3A_302 = arith.constant 0 : i32
            %dma_start3A_303 = tpu.memref_slice %arg4[%mul3A_297, %dma_start3A_302] : memref<4608x256xf32, #tpu.memory_space<hbm>> -> memref<128x256xf32, #tpu.memory_space<hbm>>
            %dma_start3A_304 = tpu.memref_slice %run_scoped3A_19[%rem3A_295] : memref<2x!tpu.dma_semaphore, #tpu.memory_space<semaphore_mem>> -> memref<1x!tpu.dma_semaphore, #tpu.memory_space<semaphore_mem>>
            %dma_start3A_305 = tpu.memref_squeeze %dma_start3A_304 : memref<1x!tpu.dma_semaphore, #tpu.memory_space<semaphore_mem>> -> memref<!tpu.dma_semaphore, #tpu.memory_space<semaphore_mem>>
            %dma_start3A_306 = arith.constant 0 : i32
            %dma_start3A_307 = tpu.memref_slice %arg4[%mul3A_297, %dma_start3A_306] : memref<4608x256xf32, #tpu.memory_space<hbm>> -> memref<128x256xf32, #tpu.memory_space<hbm>>
            %dma_start3A_308 = arith.constant 0 : i32
            %dma_start3A_309 = arith.constant 0 : i32
            %dma_start3A_310 = tpu.memref_slice %run_scoped3A_18[%rem3A_295, %dma_start3A_308, %dma_start3A_309] : memref<2x128x256xf32, #tpu.memory_space<vmem>> -> memref<1x128x256xf32, #tpu.memory_space<vmem>>
            %dma_start3A_311 = tpu.memref_squeeze %dma_start3A_310 : memref<1x128x256xf32, #tpu.memory_space<vmem>> -> memref<128x256xf32, #tpu.memory_space<vmem>>
            tpu.enqueue_dma source(%dma_start3A_311 : memref<128x256xf32, #tpu.memory_space<vmem>>) target(%dma_start3A_307 : memref<128x256xf32, #tpu.memory_space<hbm>>) target_semaphore(%dma_start3A_305 : memref<!tpu.dma_semaphore, #tpu.memory_space<semaphore_mem>>)
            "tpu.trace_stop"() : () -> ()
          } else {
          }
          %and3A_248 = arith.constant true
          %and3A_249 = arith.andi %or3A_244, %and3A_248 : i1
          %add3A_250 = arith.constant 1 : i32
          %add3A_251 = arith.addi %while3A_145, %add3A_250 : i32
          %select_n3A_252 = arith.select %and3A_249, %add3A_251, %while3A_145 : i32
          %ne3A_253 = arith.cmpi ne, %add3A_155, %add3A_165 : i32
          %or3A_254 = arith.constant false
          %or3A_255 = arith.ori %or3A_254, %ne3A_253 : i1
          %not3A_256 = arith.constant true
          %not3A_257 = arith.xori %eq3A_151, %not3A_256 : i1
          %and3A_258 = arith.andi %or3A_255, %not3A_257 : i1
          %convert_element_type3A_259 = arith.extui %and3A_258 : i1 to i32
          %cond3A_260 = arith.constant 0 : i32
          %cond3A_261 = arith.cmpi ne, %convert_element_type3A_259, %cond3A_260 : i32
          scf.if %cond3A_261 {
          } else {
          }
          %and3A_262 = arith.constant false
          %and3A_263 = arith.andi %and3A_258, %and3A_262 : i1
          %ne3A_264 = arith.cmpi ne, %add3A_155, %add3A_165 : i32
          %or3A_265 = arith.constant false
          %or3A_266 = arith.ori %or3A_265, %ne3A_264 : i1
          %or3A_267 = arith.constant false
          %or3A_268 = arith.ori %or3A_266, %or3A_267 : i1
          %not3A_269 = arith.constant true
          %not3A_270 = arith.xori %eq3A_151, %not3A_269 : i1
          %and3A_271 = arith.andi %or3A_268, %not3A_270 : i1
          %convert_element_type3A_272 = arith.extui %and3A_271 : i1 to i32
          %cond3A_273 = arith.constant 0 : i32
          %cond3A_274 = arith.cmpi ne, %convert_element_type3A_272, %cond3A_273 : i32
          scf.if %cond3A_274 {
            "tpu.trace_start"() <{level = 10 : i32, message = "ep_wait_out"}> : () -> ()
            %rem3A_294 = arith.constant 2 : i32
            %rem3A_295 = arith.remui %while3A_146, %rem3A_294 : i32
            %mul3A_296 = arith.constant 128 : i32
            %mul3A_297 = arith.muli %mul3A_296, %add3A_165 : i32
            %dma_wait3A = arith.constant 0 : i32
            %dma_wait3A_298 = arith.constant 0 : i32
            %dma_wait3A_299 = tpu.memref_slice %run_scoped3A_18[%rem3A_295, %dma_wait3A, %dma_wait3A_298] : memref<2x128x256xf32, #tpu.memory_space<vmem>> -> memref<1x128x256xf32, #tpu.memory_space<vmem>>
            %dma_wait3A_300 = tpu.memref_squeeze %dma_wait3A_299 : memref<1x128x256xf32, #tpu.memory_space<vmem>> -> memref<128x256xf32, #tpu.memory_space<vmem>>
            %dma_wait3A_301 = arith.constant 0 : i32
            %dma_wait3A_302 = tpu.memref_slice %arg4[%mul3A_297, %dma_wait3A_301] : memref<4608x256xf32, #tpu.memory_space<hbm>> -> memref<128x256xf32, #tpu.memory_space<hbm>>
            %dma_wait3A_303 = tpu.memref_slice %run_scoped3A_19[%rem3A_295] : memref<2x!tpu.dma_semaphore, #tpu.memory_space<semaphore_mem>> -> memref<1x!tpu.dma_semaphore, #tpu.memory_space<semaphore_mem>>
            %dma_wait3A_304 = tpu.memref_squeeze %dma_wait3A_303 : memref<1x!tpu.dma_semaphore, #tpu.memory_space<semaphore_mem>> -> memref<!tpu.dma_semaphore, #tpu.memory_space<semaphore_mem>>
            %dma_wait3A_305 = arith.constant 0 : i32
            %dma_wait3A_306 = tpu.memref_slice %arg4[%mul3A_297, %dma_wait3A_305] : memref<4608x256xf32, #tpu.memory_space<hbm>> -> memref<128x256xf32, #tpu.memory_space<hbm>>
            %dma_wait3A_307 = arith.constant 0 : i32
            %dma_wait3A_308 = arith.constant 0 : i32
            %dma_wait3A_309 = tpu.memref_slice %run_scoped3A_18[%rem3A_295, %dma_wait3A_307, %dma_wait3A_308] : memref<2x128x256xf32, #tpu.memory_space<vmem>> -> memref<1x128x256xf32, #tpu.memory_space<vmem>>
            %dma_wait3A_310 = tpu.memref_squeeze %dma_wait3A_309 : memref<1x128x256xf32, #tpu.memory_space<vmem>> -> memref<128x256xf32, #tpu.memory_space<vmem>>
            tpu.wait_dma2 semaphore(%dma_wait3A_304 : memref<!tpu.dma_semaphore, #tpu.memory_space<semaphore_mem>>) src(%dma_wait3A_310 : memref<128x256xf32, #tpu.memory_space<vmem>>) dst(%dma_wait3A_306 : memref<128x256xf32, #tpu.memory_space<hbm>>)
            "tpu.trace_stop"() : () -> ()
          } else {
          }
          %and3A_275 = arith.constant true
          %and3A_276 = arith.andi %and3A_271, %and3A_275 : i1
          %add3A_277 = arith.constant 1 : i32
          %add3A_278 = arith.addi %while3A_146, %add3A_277 : i32
          %select_n3A_279 = arith.select %and3A_276, %add3A_278, %while3A_146 : i32
          %ne3A_280 = arith.cmpi ne, %add3A_155, %add3A_173 : i32
          %or3A_281 = arith.constant false
          %or3A_282 = arith.ori %or3A_281, %ne3A_280 : i1
          %or3A_283 = arith.ori %or3A_282, %eq3A_154 : i1
          %add3A_284 = arith.constant 1 : i32
          %add3A_285 = arith.addi %while3A_144, %add3A_284 : i32
          %select_n3A_286 = arith.select %or3A_283, %add3A_285, %while3A_144 : i32
          %add3A_287 = arith.constant 1 : i32
          %add3A_288 = arith.addi %while3A_147, %add3A_287 : i32
          %select_n3A_289 = arith.constant true
          %select_n3A_290 = arith.select %select_n3A_289, %add3A_288, %while3A_147 : i32
          %eq3A_291 = arith.cmpi eq, %select_n3A_290, %select_n3A : i32
          %select_n3A_292 = arith.constant 0 : i32
          %select_n3A_293 = arith.select %eq3A_291, %select_n3A_292, %select_n3A_290 : i32
          scf.yield %select_n3A_195, %select_n3A_286, %select_n3A_252, %select_n3A_279, %select_n3A_293 : i32, i32, i32, i32, i32
        }
        %while3A_89 = arith.constant 1 : i32
        %while3A_90:5 = scf.for %while3A_142 = %while3A_86 to %while3A_82 step %while3A_89 iter_args(%while3A_143 = %while3A_88#0, %while3A_144 = %while3A_88#1, %while3A_145 = %while3A_88#2, %while3A_146 = %while3A_88#3, %while3A_147 = %while3A_88#4) -> (i32, i32, i32, i32, i32)  : i32 {
          %mul3A_148 = arith.constant 1 : i32
          %mul3A_149 = arith.muli %mul3A_148, %select_n3A : i32
          %eq3A_150 = arith.constant 0 : i32
          %eq3A_151 = arith.cmpi eq, %while3A_142, %eq3A_150 : i32
          %sub3A_152 = arith.constant 1 : i32
          %sub3A_153 = arith.subi %mul3A_149, %sub3A_152 : i32
          %eq3A_154 = arith.cmpi eq, %while3A_142, %sub3A_153 : i32
          %add3A_155 = arith.addi %while3A_147, %select_n3A_14 : i32
          %sub3A_156 = arith.constant 1 : i32
          %sub3A_157 = arith.subi %while3A_147, %sub3A_156 : i32
          %select_n3A_158 = arith.constant true
          %select_n3A_159 = arith.select %select_n3A_158, %sub3A_157, %while3A_147 : i32
          %eq3A_160 = arith.constant -1 : i32
          %eq3A_161 = arith.cmpi eq, %select_n3A_159, %eq3A_160 : i32
          %sub3A_162 = arith.constant 1 : i32
          %sub3A_163 = arith.subi %select_n3A, %sub3A_162 : i32
          %select_n3A_164 = arith.select %eq3A_161, %sub3A_163, %select_n3A_159 : i32
          %add3A_165 = arith.addi %select_n3A_164, %select_n3A_14 : i32
          %add3A_166 = arith.constant 1 : i32
          %add3A_167 = arith.addi %while3A_147, %add3A_166 : i32
          %select_n3A_168 = arith.constant true
          %select_n3A_169 = arith.select %select_n3A_168, %add3A_167, %while3A_147 : i32
          %eq3A_170 = arith.cmpi eq, %select_n3A_169, %select_n3A : i32
          %select_n3A_171 = arith.constant 0 : i32
          %select_n3A_172 = arith.select %eq3A_170, %select_n3A_171, %select_n3A_169 : i32
          %add3A_173 = arith.addi %select_n3A_172, %select_n3A_14 : i32
          %add3A_174 = arith.constant 1 : i32
          %add3A_175 = arith.addi %select_n3A_172, %add3A_174 : i32
          %select_n3A_176 = arith.constant true
          %select_n3A_177 = arith.select %select_n3A_176, %add3A_175, %select_n3A_172 : i32
          %eq3A_178 = arith.cmpi eq, %select_n3A_177, %select_n3A : i32
          %select_n3A_179 = arith.constant 0 : i32
          %select_n3A_180 = arith.select %eq3A_178, %select_n3A_179, %select_n3A_177 : i32
          %add3A_181 = arith.addi %select_n3A_180, %select_n3A_14 : i32
          %ne3A = arith.cmpi ne, %add3A_155, %add3A_173 : i32
          %or3A = arith.constant false
          %or3A_182 = arith.ori %or3A, %ne3A : i1
          %sub3A_183 = arith.constant 2 : i32
          %sub3A_184 = arith.subi %mul3A_149, %sub3A_183 : i32
          %add3A_185 = arith.constant 1 : i32
          %add3A_186 = arith.addi %sub3A_184, %add3A_185 : i32
          %ge3A = arith.cmpi sge, %while3A_142, %add3A_186 : i32
          %not3A = arith.constant true
          %not3A_187 = arith.xori %ge3A, %not3A : i1
          %and3A = arith.andi %or3A_182, %not3A_187 : i1
          %convert_element_type3A_188 = arith.extui %and3A : i1 to i32
          %cond3A_189 = arith.constant 0 : i32
          %cond3A_190 = arith.cmpi ne, %convert_element_type3A_188, %cond3A_189 : i32
          scf.if %cond3A_190 {
            "tpu.trace_start"() <{level = 10 : i32, message = "ep_copy_in"}> : () -> ()
            %rem3A_294 = arith.constant 2 : i32
            %rem3A_295 = arith.remui %while3A_143, %rem3A_294 : i32
            %mul3A_296 = arith.constant 128 : i32
            %mul3A_297 = arith.muli %mul3A_296, %add3A_173 : i32
            %dma_start3A_298 = arith.constant 0 : i32
            %dma_start3A_299 = arith.constant 0 : i32
            %dma_start3A_300 = tpu.memref_slice %run_scoped3A[%rem3A_295, %dma_start3A_298, %dma_start3A_299] : memref<2x1x128xi32, #tpu.memory_space<vmem>> -> memref<1x1x128xi32, #tpu.memory_space<vmem>>
            %dma_start3A_301 = tpu.memref_squeeze %dma_start3A_300 : memref<1x1x128xi32, #tpu.memory_space<vmem>> -> memref<1x128xi32, #tpu.memory_space<vmem>>
            %dma_start3A_302 = arith.constant 0 : i32
            %dma_start3A_303 = tpu.memref_slice %arg3[%dma_start3A_302, %mul3A_297] : memref<1x4608xi32, #tpu.memory_space<hbm>> -> memref<1x128xi32, #tpu.memory_space<hbm>>
            %dma_start3A_304 = tpu.memref_slice %run_scoped3A_17[%rem3A_295] : memref<2x!tpu.dma_semaphore, #tpu.memory_space<semaphore_mem>> -> memref<1x!tpu.dma_semaphore, #tpu.memory_space<semaphore_mem>>
            %dma_start3A_305 = tpu.memref_squeeze %dma_start3A_304 : memref<1x!tpu.dma_semaphore, #tpu.memory_space<semaphore_mem>> -> memref<!tpu.dma_semaphore, #tpu.memory_space<semaphore_mem>>
            %dma_start3A_306 = arith.constant 0 : i32
            %dma_start3A_307 = arith.constant 0 : i32
            %dma_start3A_308 = tpu.memref_slice %run_scoped3A[%rem3A_295, %dma_start3A_306, %dma_start3A_307] : memref<2x1x128xi32, #tpu.memory_space<vmem>> -> memref<1x1x128xi32, #tpu.memory_space<vmem>>
            %dma_start3A_309 = tpu.memref_squeeze %dma_start3A_308 : memref<1x1x128xi32, #tpu.memory_space<vmem>> -> memref<1x128xi32, #tpu.memory_space<vmem>>
            %dma_start3A_310 = arith.constant 0 : i32
            %dma_start3A_311 = tpu.memref_slice %arg3[%dma_start3A_310, %mul3A_297] : memref<1x4608xi32, #tpu.memory_space<hbm>> -> memref<1x128xi32, #tpu.memory_space<hbm>>
            tpu.enqueue_dma source(%dma_start3A_311 : memref<1x128xi32, #tpu.memory_space<hbm>>) target(%dma_start3A_309 : memref<1x128xi32, #tpu.memory_space<vmem>>) target_semaphore(%dma_start3A_305 : memref<!tpu.dma_semaphore, #tpu.memory_space<semaphore_mem>>)
            "tpu.trace_stop"() : () -> ()
          } else {
          }
          %and3A_191 = arith.constant true
          %and3A_192 = arith.andi %and3A, %and3A_191 : i1
          %add3A_193 = arith.constant 1 : i32
          %add3A_194 = arith.addi %while3A_143, %add3A_193 : i32
          %select_n3A_195 = arith.select %and3A_192, %add3A_194, %while3A_143 : i32
          %ne3A_196 = arith.cmpi ne, %add3A_155, %add3A_173 : i32
          %or3A_197 = arith.constant false
          %or3A_198 = arith.ori %or3A_197, %ne3A_196 : i1
          %or3A_199 = arith.constant false
          %or3A_200 = arith.ori %or3A_198, %or3A_199 : i1
          %sub3A_201 = arith.constant 2 : i32
          %sub3A_202 = arith.subi %mul3A_149, %sub3A_201 : i32
          %add3A_203 = arith.constant 1 : i32
          %add3A_204 = arith.addi %sub3A_202, %add3A_203 : i32
          %ge3A_205 = arith.cmpi sge, %while3A_142, %add3A_204 : i32
          %not3A_206 = arith.constant true
          %not3A_207 = arith.xori %ge3A_205, %not3A_206 : i1
          %and3A_208 = arith.andi %or3A_200, %not3A_207 : i1
          %ne3A_209 = arith.cmpi ne, %add3A_155, %add3A_165 : i32
          %or3A_210 = arith.constant false
          %or3A_211 = arith.ori %or3A_210, %ne3A_209 : i1
          %or3A_212 = arith.ori %or3A_211, %eq3A_151 : i1
          %convert_element_type3A_213 = arith.extui %or3A_212 : i1 to i32
          %cond3A_214 = arith.constant 0 : i32
          %cond3A_215 = arith.cmpi ne, %convert_element_type3A_213, %cond3A_214 : i32
          scf.if %cond3A_215 {
            "tpu.trace_start"() <{level = 10 : i32, message = "ep_wait_in"}> : () -> ()
            %mul3A_294 = arith.constant 128 : i32
            %mul3A_295 = arith.muli %mul3A_294, %add3A_155 : i32
            %rem3A_296 = arith.constant 2 : i32
            %rem3A_297 = arith.remui %while3A_144, %rem3A_296 : i32
            %dma_wait3A = arith.constant 0 : i32
            %dma_wait3A_298 = arith.constant 0 : i32
            %dma_wait3A_299 = tpu.memref_slice %run_scoped3A[%rem3A_297, %dma_wait3A, %dma_wait3A_298] : memref<2x1x128xi32, #tpu.memory_space<vmem>> -> memref<1x1x128xi32, #tpu.memory_space<vmem>>
            %dma_wait3A_300 = tpu.memref_squeeze %dma_wait3A_299 : memref<1x1x128xi32, #tpu.memory_space<vmem>> -> memref<1x128xi32, #tpu.memory_space<vmem>>
            %dma_wait3A_301 = arith.constant 0 : i32
            %dma_wait3A_302 = tpu.memref_slice %arg3[%dma_wait3A_301, %mul3A_295] : memref<1x4608xi32, #tpu.memory_space<hbm>> -> memref<1x128xi32, #tpu.memory_space<hbm>>
            %dma_wait3A_303 = tpu.memref_slice %run_scoped3A_17[%rem3A_297] : memref<2x!tpu.dma_semaphore, #tpu.memory_space<semaphore_mem>> -> memref<1x!tpu.dma_semaphore, #tpu.memory_space<semaphore_mem>>
            %dma_wait3A_304 = tpu.memref_squeeze %dma_wait3A_303 : memref<1x!tpu.dma_semaphore, #tpu.memory_space<semaphore_mem>> -> memref<!tpu.dma_semaphore, #tpu.memory_space<semaphore_mem>>
            %dma_wait3A_305 = arith.constant 0 : i32
            %dma_wait3A_306 = arith.constant 0 : i32
            %dma_wait3A_307 = tpu.memref_slice %run_scoped3A[%rem3A_297, %dma_wait3A_305, %dma_wait3A_306] : memref<2x1x128xi32, #tpu.memory_space<vmem>> -> memref<1x1x128xi32, #tpu.memory_space<vmem>>
            %dma_wait3A_308 = tpu.memref_squeeze %dma_wait3A_307 : memref<1x1x128xi32, #tpu.memory_space<vmem>> -> memref<1x128xi32, #tpu.memory_space<vmem>>
            %dma_wait3A_309 = arith.constant 0 : i32
            %dma_wait3A_310 = tpu.memref_slice %arg3[%dma_wait3A_309, %mul3A_295] : memref<1x4608xi32, #tpu.memory_space<hbm>> -> memref<1x128xi32, #tpu.memory_space<hbm>>
            tpu.wait_dma2 semaphore(%dma_wait3A_304 : memref<!tpu.dma_semaphore, #tpu.memory_space<semaphore_mem>>) src(%dma_wait3A_310 : memref<1x128xi32, #tpu.memory_space<hbm>>) dst(%dma_wait3A_308 : memref<1x128xi32, #tpu.memory_space<vmem>>)
            "tpu.trace_stop"() : () -> ()
          } else {
          }
          %ne3A_216 = arith.cmpi ne, %add3A_155, %add3A_165 : i32
          %or3A_217 = arith.constant false
          %or3A_218 = arith.ori %or3A_217, %ne3A_216 : i1
          %or3A_219 = arith.constant false
          %or3A_220 = arith.ori %or3A_218, %or3A_219 : i1
          %or3A_221 = arith.ori %or3A_220, %eq3A_151 : i1
          %convert_element_type3A_222 = arith.extui %or3A_221 : i1 to i32
          %cond3A_223 = arith.constant 0 : i32
          %cond3A_224 = arith.cmpi ne, %convert_element_type3A_222, %cond3A_223 : i32
          scf.if %cond3A_224 {
          } else {
          }
          %rem3A_225 = arith.constant 2 : i32
          %rem3A_226 = arith.remui %while3A_144, %rem3A_225 : i32
          %rem3A_227 = arith.constant 2 : i32
          %rem3A_228 = arith.remui %while3A_145, %rem3A_227 : i32
          %run_scoped3A_229 = arith.constant 0 : i32
          "tpu.trace_start"() <{level = 10 : i32, message = "ep_run_kernel"}> : () -> ()
          "tpu.region"() ({
            %run_scoped3A_294 = tpu.sem_alloc : memref<!tpu.dma_semaphore, #tpu.memory_space<semaphore_mem>>
            %dma_start3A_295 = arith.constant 0 : i32
            %dma_start3A_296 = arith.constant 0 : i32
            %dma_start3A_297 = tpu.memref_slice %run_scoped3A_18[%rem3A_228, %dma_start3A_295, %dma_start3A_296] : memref<2x128x256xf32, #tpu.memory_space<vmem>> -> memref<1x128x256xf32, #tpu.memory_space<vmem>>
            %dma_start3A_298 = tpu.memref_squeeze %dma_start3A_297 : memref<1x128x256xf32, #tpu.memory_space<vmem>> -> memref<128x256xf32, #tpu.memory_space<vmem>>
            %dma_start3A_299 = arith.constant 0 : i32
            %dma_start3A_300 = arith.constant 0 : i32
            %dma_start3A_301 = tpu.memref_slice %run_scoped3A[%rem3A_226, %dma_start3A_299, %dma_start3A_300] : memref<2x1x128xi32, #tpu.memory_space<vmem>> -> memref<1x1x128xi32, #tpu.memory_space<vmem>>
            %dma_start3A_302 = tpu.memref_squeeze %dma_start3A_301 : memref<1x1x128xi32, #tpu.memory_space<vmem>> -> memref<1x128xi32, #tpu.memory_space<vmem>>
            %dma_start3A_303 = arith.constant 0 : i32
            %dma_start3A_304 = tpu.memref_slice %dma_start3A_302[%run_scoped3A_229, %dma_start3A_303] : memref<1x128xi32, #tpu.memory_space<vmem>> -> memref<1x128xi32, #tpu.memory_space<vmem>>
            %dma_start3A_305 = tpu.memref_squeeze %dma_start3A_304 : memref<1x128xi32, #tpu.memory_space<vmem>> -> memref<128xi32, #tpu.memory_space<vmem>>
            %dma_start3A_306 = arith.constant 0 : i32
            %dma_start3A_307 = arith.constant 0 : i32
            %dma_start3A_308 = tpu.memref_slice %arg2[%dma_start3A_306, %dma_start3A_307] : memref<8192x256xf32, #tpu.memory_space<hbm>> -> memref<8192x256xf32, #tpu.memory_space<hbm>>
            tpu.enqueue_indirect_dma source(%dma_start3A_308 : memref<8192x256xf32, #tpu.memory_space<hbm>>) target(%dma_start3A_298 : memref<128x256xf32, #tpu.memory_space<vmem>>) offsets(%dma_start3A_305 : memref<128xi32, #tpu.memory_space<vmem>>) semaphore(%run_scoped3A_294 : memref<!tpu.dma_semaphore, #tpu.memory_space<semaphore_mem>>)
            %dma_wait3A = arith.constant 0 : i32
            %dma_wait3A_309 = arith.constant 0 : i32
            %dma_wait3A_310 = tpu.memref_slice %run_scoped3A_18[%rem3A_228, %dma_wait3A, %dma_wait3A_309] : memref<2x128x256xf32, #tpu.memory_space<vmem>> -> memref<1x128x256xf32, #tpu.memory_space<vmem>>
            %dma_wait3A_311 = tpu.memref_squeeze %dma_wait3A_310 : memref<1x128x256xf32, #tpu.memory_space<vmem>> -> memref<128x256xf32, #tpu.memory_space<vmem>>
            %dma_wait3A_312 = arith.constant 0 : i32
            %dma_wait3A_313 = arith.constant 0 : i32
            %dma_wait3A_314 = tpu.memref_slice %run_scoped3A[%rem3A_226, %dma_wait3A_312, %dma_wait3A_313] : memref<2x1x128xi32, #tpu.memory_space<vmem>> -> memref<1x1x128xi32, #tpu.memory_space<vmem>>
            %dma_wait3A_315 = tpu.memref_squeeze %dma_wait3A_314 : memref<1x1x128xi32, #tpu.memory_space<vmem>> -> memref<1x128xi32, #tpu.memory_space<vmem>>
            %dma_wait3A_316 = arith.constant 0 : i32
            %dma_wait3A_317 = tpu.memref_slice %dma_wait3A_315[%run_scoped3A_229, %dma_wait3A_316] : memref<1x128xi32, #tpu.memory_space<vmem>> -> memref<1x128xi32, #tpu.memory_space<vmem>>
            %dma_wait3A_318 = tpu.memref_squeeze %dma_wait3A_317 : memref<1x128xi32, #tpu.memory_space<vmem>> -> memref<128xi32, #tpu.memory_space<vmem>>
            %dma_wait3A_319 = arith.constant 0 : i32
            %dma_wait3A_320 = arith.constant 0 : i32
            %dma_wait3A_321 = tpu.memref_slice %arg2[%dma_wait3A_319, %dma_wait3A_320] : memref<8192x256xf32, #tpu.memory_space<hbm>> -> memref<8192x256xf32, #tpu.memory_space<hbm>>
            tpu.wait_indirect_dma semaphore(%run_scoped3A_294 : memref<!tpu.dma_semaphore, #tpu.memory_space<semaphore_mem>>) src(%dma_wait3A_321 : memref<8192x256xf32, #tpu.memory_space<hbm>>) dst(%dma_wait3A_311 : memref<128x256xf32, #tpu.memory_space<vmem>>)
            tpu.yield
          }) : () -> ()
          "tpu.trace_stop"() : () -> ()
          %ne3A_230 = arith.cmpi ne, %add3A_155, %add3A_173 : i32
          %or3A_231 = arith.constant false
          %or3A_232 = arith.ori %or3A_231, %ne3A_230 : i1
          %or3A_233 = arith.ori %or3A_232, %eq3A_154 : i1
          %convert_element_type3A_234 = arith.extui %or3A_233 : i1 to i32
          %cond3A_235 = arith.constant 0 : i32
          %cond3A_236 = arith.cmpi ne, %convert_element_type3A_234, %cond3A_235 : i32
          scf.if %cond3A_236 {
          } else {
          }
          %and3A_237 = arith.constant false
          %and3A_238 = arith.andi %or3A_233, %and3A_237 : i1
          %ne3A_239 = arith.cmpi ne, %add3A_155, %add3A_173 : i32
          %or3A_240 = arith.constant false
          %or3A_241 = arith.ori %or3A_240, %ne3A_239 : i1
          %or3A_242 = arith.constant false
          %or3A_243 = arith.ori %or3A_241, %or3A_242 : i1
          %or3A_244 = arith.ori %or3A_243, %eq3A_154 : i1
          %convert_element_type3A_245 = arith.extui %or3A_244 : i1 to i32
          %cond3A_246 = arith.constant 0 : i32
          %cond3A_247 = arith.cmpi ne, %convert_element_type3A_245, %cond3A_246 : i32
          scf.if %cond3A_247 {
            "tpu.trace_start"() <{level = 10 : i32, message = "ep_copy_out"}> : () -> ()
            %rem3A_294 = arith.constant 2 : i32
            %rem3A_295 = arith.remui %while3A_145, %rem3A_294 : i32
            %mul3A_296 = arith.constant 128 : i32
            %mul3A_297 = arith.muli %mul3A_296, %add3A_155 : i32
            %dma_start3A_298 = arith.constant 0 : i32
            %dma_start3A_299 = arith.constant 0 : i32
            %dma_start3A_300 = tpu.memref_slice %run_scoped3A_18[%rem3A_295, %dma_start3A_298, %dma_start3A_299] : memref<2x128x256xf32, #tpu.memory_space<vmem>> -> memref<1x128x256xf32, #tpu.memory_space<vmem>>
            %dma_start3A_301 = tpu.memref_squeeze %dma_start3A_300 : memref<1x128x256xf32, #tpu.memory_space<vmem>> -> memref<128x256xf32, #tpu.memory_space<vmem>>
            %dma_start3A_302 = arith.constant 0 : i32
            %dma_start3A_303 = tpu.memref_slice %arg4[%mul3A_297, %dma_start3A_302] : memref<4608x256xf32, #tpu.memory_space<hbm>> -> memref<128x256xf32, #tpu.memory_space<hbm>>
            %dma_start3A_304 = tpu.memref_slice %run_scoped3A_19[%rem3A_295] : memref<2x!tpu.dma_semaphore, #tpu.memory_space<semaphore_mem>> -> memref<1x!tpu.dma_semaphore, #tpu.memory_space<semaphore_mem>>
            %dma_start3A_305 = tpu.memref_squeeze %dma_start3A_304 : memref<1x!tpu.dma_semaphore, #tpu.memory_space<semaphore_mem>> -> memref<!tpu.dma_semaphore, #tpu.memory_space<semaphore_mem>>
            %dma_start3A_306 = arith.constant 0 : i32
            %dma_start3A_307 = tpu.memref_slice %arg4[%mul3A_297, %dma_start3A_306] : memref<4608x256xf32, #tpu.memory_space<hbm>> -> memref<128x256xf32, #tpu.memory_space<hbm>>
            %dma_start3A_308 = arith.constant 0 : i32
            %dma_start3A_309 = arith.constant 0 : i32
            %dma_start3A_310 = tpu.memref_slice %run_scoped3A_18[%rem3A_295, %dma_start3A_308, %dma_start3A_309] : memref<2x128x256xf32, #tpu.memory_space<vmem>> -> memref<1x128x256xf32, #tpu.memory_space<vmem>>
            %dma_start3A_311 = tpu.memref_squeeze %dma_start3A_310 : memref<1x128x256xf32, #tpu.memory_space<vmem>> -> memref<128x256xf32, #tpu.memory_space<vmem>>
            tpu.enqueue_dma source(%dma_start3A_311 : memref<128x256xf32, #tpu.memory_space<vmem>>) target(%dma_start3A_307 : memref<128x256xf32, #tpu.memory_space<hbm>>) target_semaphore(%dma_start3A_305 : memref<!tpu.dma_semaphore, #tpu.memory_space<semaphore_mem>>)
            "tpu.trace_stop"() : () -> ()
          } else {
          }
          %and3A_248 = arith.constant true
          %and3A_249 = arith.andi %or3A_244, %and3A_248 : i1
          %add3A_250 = arith.constant 1 : i32
          %add3A_251 = arith.addi %while3A_145, %add3A_250 : i32
          %select_n3A_252 = arith.select %and3A_249, %add3A_251, %while3A_145 : i32
          %ne3A_253 = arith.cmpi ne, %add3A_155, %add3A_165 : i32
          %or3A_254 = arith.constant false
          %or3A_255 = arith.ori %or3A_254, %ne3A_253 : i1
          %not3A_256 = arith.constant true
          %not3A_257 = arith.xori %eq3A_151, %not3A_256 : i1
          %and3A_258 = arith.andi %or3A_255, %not3A_257 : i1
          %convert_element_type3A_259 = arith.extui %and3A_258 : i1 to i32
          %cond3A_260 = arith.constant 0 : i32
          %cond3A_261 = arith.cmpi ne, %convert_element_type3A_259, %cond3A_260 : i32
          scf.if %cond3A_261 {
          } else {
          }
          %and3A_262 = arith.constant false
          %and3A_263 = arith.andi %and3A_258, %and3A_262 : i1
          %ne3A_264 = arith.cmpi ne, %add3A_155, %add3A_165 : i32
          %or3A_265 = arith.constant false
          %or3A_266 = arith.ori %or3A_265, %ne3A_264 : i1
          %or3A_267 = arith.constant false
          %or3A_268 = arith.ori %or3A_266, %or3A_267 : i1
          %not3A_269 = arith.constant true
          %not3A_270 = arith.xori %eq3A_151, %not3A_269 : i1
          %and3A_271 = arith.andi %or3A_268, %not3A_270 : i1
          %convert_element_type3A_272 = arith.extui %and3A_271 : i1 to i32
          %cond3A_273 = arith.constant 0 : i32
          %cond3A_274 = arith.cmpi ne, %convert_element_type3A_272, %cond3A_273 : i32
          scf.if %cond3A_274 {
            "tpu.trace_start"() <{level = 10 : i32, message = "ep_wait_out"}> : () -> ()
            %rem3A_294 = arith.constant 2 : i32
            %rem3A_295 = arith.remui %while3A_146, %rem3A_294 : i32
            %mul3A_296 = arith.constant 128 : i32
            %mul3A_297 = arith.muli %mul3A_296, %add3A_165 : i32
            %dma_wait3A = arith.constant 0 : i32
            %dma_wait3A_298 = arith.constant 0 : i32
            %dma_wait3A_299 = tpu.memref_slice %run_scoped3A_18[%rem3A_295, %dma_wait3A, %dma_wait3A_298] : memref<2x128x256xf32, #tpu.memory_space<vmem>> -> memref<1x128x256xf32, #tpu.memory_space<vmem>>
            %dma_wait3A_300 = tpu.memref_squeeze %dma_wait3A_299 : memref<1x128x256xf32, #tpu.memory_space<vmem>> -> memref<128x256xf32, #tpu.memory_space<vmem>>
            %dma_wait3A_301 = arith.constant 0 : i32
            %dma_wait3A_302 = tpu.memref_slice %arg4[%mul3A_297, %dma_wait3A_301] : memref<4608x256xf32, #tpu.memory_space<hbm>> -> memref<128x256xf32, #tpu.memory_space<hbm>>
            %dma_wait3A_303 = tpu.memref_slice %run_scoped3A_19[%rem3A_295] : memref<2x!tpu.dma_semaphore, #tpu.memory_space<semaphore_mem>> -> memref<1x!tpu.dma_semaphore, #tpu.memory_space<semaphore_mem>>
            %dma_wait3A_304 = tpu.memref_squeeze %dma_wait3A_303 : memref<1x!tpu.dma_semaphore, #tpu.memory_space<semaphore_mem>> -> memref<!tpu.dma_semaphore, #tpu.memory_space<semaphore_mem>>
            %dma_wait3A_305 = arith.constant 0 : i32
            %dma_wait3A_306 = tpu.memref_slice %arg4[%mul3A_297, %dma_wait3A_305] : memref<4608x256xf32, #tpu.memory_space<hbm>> -> memref<128x256xf32, #tpu.memory_space<hbm>>
            %dma_wait3A_307 = arith.constant 0 : i32
            %dma_wait3A_308 = arith.constant 0 : i32
            %dma_wait3A_309 = tpu.memref_slice %run_scoped3A_18[%rem3A_295, %dma_wait3A_307, %dma_wait3A_308] : memref<2x128x256xf32, #tpu.memory_space<vmem>> -> memref<1x128x256xf32, #tpu.memory_space<vmem>>
            %dma_wait3A_310 = tpu.memref_squeeze %dma_wait3A_309 : memref<1x128x256xf32, #tpu.memory_space<vmem>> -> memref<128x256xf32, #tpu.memory_space<vmem>>
            tpu.wait_dma2 semaphore(%dma_wait3A_304 : memref<!tpu.dma_semaphore, #tpu.memory_space<semaphore_mem>>) src(%dma_wait3A_310 : memref<128x256xf32, #tpu.memory_space<vmem>>) dst(%dma_wait3A_306 : memref<128x256xf32, #tpu.memory_space<hbm>>)
            "tpu.trace_stop"() : () -> ()
          } else {
          }
          %and3A_275 = arith.constant true
          %and3A_276 = arith.andi %and3A_271, %and3A_275 : i1
          %add3A_277 = arith.constant 1 : i32
          %add3A_278 = arith.addi %while3A_146, %add3A_277 : i32
          %select_n3A_279 = arith.select %and3A_276, %add3A_278, %while3A_146 : i32
          %ne3A_280 = arith.cmpi ne, %add3A_155, %add3A_173 : i32
          %or3A_281 = arith.constant false
          %or3A_282 = arith.ori %or3A_281, %ne3A_280 : i1
          %or3A_283 = arith.ori %or3A_282, %eq3A_154 : i1
          %add3A_284 = arith.constant 1 : i32
          %add3A_285 = arith.addi %while3A_144, %add3A_284 : i32
          %select_n3A_286 = arith.select %or3A_283, %add3A_285, %while3A_144 : i32
          %add3A_287 = arith.constant 1 : i32
          %add3A_288 = arith.addi %while3A_147, %add3A_287 : i32
          %select_n3A_289 = arith.constant true
          %select_n3A_290 = arith.select %select_n3A_289, %add3A_288, %while3A_147 : i32
          %eq3A_291 = arith.cmpi eq, %select_n3A_290, %select_n3A : i32
          %select_n3A_292 = arith.constant 0 : i32
          %select_n3A_293 = arith.select %eq3A_291, %select_n3A_292, %select_n3A_290 : i32
          scf.yield %select_n3A_195, %select_n3A_286, %select_n3A_252, %select_n3A_279, %select_n3A_293 : i32, i32, i32, i32, i32
        }
        %sub3A_91 = arith.constant 1 : i32
        %sub3A_92 = arith.subi %while3A_90#4, %sub3A_91 : i32
        %select_n3A_93 = arith.constant true
        %select_n3A_94 = arith.select %select_n3A_93, %sub3A_92, %while3A_90#4 : i32
        %eq3A_95 = arith.constant -1 : i32
        %eq3A_96 = arith.cmpi eq, %select_n3A_94, %eq3A_95 : i32
        %sub3A_97 = arith.constant 1 : i32
        %sub3A_98 = arith.subi %select_n3A, %sub3A_97 : i32
        %select_n3A_99 = arith.select %eq3A_96, %sub3A_98, %select_n3A_94 : i32
        %sub3A_100 = arith.constant 1 : i32
        %sub3A_101 = arith.subi %mul3A_16, %sub3A_100 : i32
        %mul3A_102 = arith.constant 1 : i32
        %mul3A_103 = arith.muli %mul3A_102, %select_n3A : i32
        %eq3A_104 = arith.constant 0 : i32
        %eq3A_105 = arith.cmpi eq, %sub3A_101, %eq3A_104 : i32
        %sub3A_106 = arith.constant 1 : i32
        %sub3A_107 = arith.subi %mul3A_103, %sub3A_106 : i32
        %eq3A_108 = arith.cmpi eq, %sub3A_101, %sub3A_107 : i32
        %add3A_109 = arith.addi %select_n3A_99, %select_n3A_14 : i32
        %sub3A_110 = arith.constant 1 : i32
        %sub3A_111 = arith.subi %select_n3A_99, %sub3A_110 : i32
        %select_n3A_112 = arith.constant true
        %select_n3A_113 = arith.select %select_n3A_112, %sub3A_111, %select_n3A_99 : i32
        %eq3A_114 = arith.constant -1 : i32
        %eq3A_115 = arith.cmpi eq, %select_n3A_113, %eq3A_114 : i32
        %sub3A_116 = arith.constant 1 : i32
        %sub3A_117 = arith.subi %select_n3A, %sub3A_116 : i32
        %select_n3A_118 = arith.select %eq3A_115, %sub3A_117, %select_n3A_113 : i32
        %add3A_119 = arith.addi %select_n3A_118, %select_n3A_14 : i32
        %add3A_120 = arith.constant 1 : i32
        %add3A_121 = arith.addi %select_n3A_99, %add3A_120 : i32
        %select_n3A_122 = arith.constant true
        %select_n3A_123 = arith.select %select_n3A_122, %add3A_121, %select_n3A_99 : i32
        %eq3A_124 = arith.cmpi eq, %select_n3A_123, %select_n3A : i32
        %select_n3A_125 = arith.constant 0 : i32
        %select_n3A_126 = arith.select %eq3A_124, %select_n3A_125, %select_n3A_123 : i32
        %add3A_127 = arith.addi %select_n3A_126, %select_n3A_14 : i32
        %add3A_128 = arith.constant 1 : i32
        %add3A_129 = arith.addi %select_n3A_126, %add3A_128 : i32
        %select_n3A_130 = arith.constant true
        %select_n3A_131 = arith.select %select_n3A_130, %add3A_129, %select_n3A_126 : i32
        %eq3A_132 = arith.cmpi eq, %select_n3A_131, %select_n3A : i32
        %select_n3A_133 = arith.constant 0 : i32
        %select_n3A_134 = arith.select %eq3A_132, %select_n3A_133, %select_n3A_131 : i32
        %add3A_135 = arith.addi %select_n3A_134, %select_n3A_14 : i32
        %convert_element_type3A_136 = arith.extui %eq3A_108 : i1 to i32
        %cond3A_137 = arith.constant 0 : i32
        %cond3A_138 = arith.cmpi ne, %convert_element_type3A_136, %cond3A_137 : i32
        scf.if %cond3A_138 {
        } else {
        }
        %convert_element_type3A_139 = arith.extui %eq3A_108 : i1 to i32
        %cond3A_140 = arith.constant 0 : i32
        %cond3A_141 = arith.cmpi ne, %convert_element_type3A_139, %cond3A_140 : i32
        scf.if %cond3A_141 {
          "tpu.trace_start"() <{level = 10 : i32, message = "ep_finalize"}> : () -> ()
          %rem3A_142 = arith.constant 2 : i32
          %rem3A_143 = arith.remui %while3A_90#3, %rem3A_142 : i32
          %mul3A_144 = arith.constant 128 : i32
          %mul3A_145 = arith.muli %mul3A_144, %add3A_109 : i32
          %dma_wait3A = arith.constant 0 : i32
          %dma_wait3A_146 = arith.constant 0 : i32
          %dma_wait3A_147 = tpu.memref_slice %run_scoped3A_18[%rem3A_143, %dma_wait3A, %dma_wait3A_146] : memref<2x128x256xf32, #tpu.memory_space<vmem>> -> memref<1x128x256xf32, #tpu.memory_space<vmem>>
          %dma_wait3A_148 = tpu.memref_squeeze %dma_wait3A_147 : memref<1x128x256xf32, #tpu.memory_space<vmem>> -> memref<128x256xf32, #tpu.memory_space<vmem>>
          %dma_wait3A_149 = arith.constant 0 : i32
          %dma_wait3A_150 = tpu.memref_slice %arg4[%mul3A_145, %dma_wait3A_149] : memref<4608x256xf32, #tpu.memory_space<hbm>> -> memref<128x256xf32, #tpu.memory_space<hbm>>
          %dma_wait3A_151 = tpu.memref_slice %run_scoped3A_19[%rem3A_143] : memref<2x!tpu.dma_semaphore, #tpu.memory_space<semaphore_mem>> -> memref<1x!tpu.dma_semaphore, #tpu.memory_space<semaphore_mem>>
          %dma_wait3A_152 = tpu.memref_squeeze %dma_wait3A_151 : memref<1x!tpu.dma_semaphore, #tpu.memory_space<semaphore_mem>> -> memref<!tpu.dma_semaphore, #tpu.memory_space<semaphore_mem>>
          %dma_wait3A_153 = arith.constant 0 : i32
          %dma_wait3A_154 = tpu.memref_slice %arg4[%mul3A_145, %dma_wait3A_153] : memref<4608x256xf32, #tpu.memory_space<hbm>> -> memref<128x256xf32, #tpu.memory_space<hbm>>
          %dma_wait3A_155 = arith.constant 0 : i32
          %dma_wait3A_156 = arith.constant 0 : i32
          %dma_wait3A_157 = tpu.memref_slice %run_scoped3A_18[%rem3A_143, %dma_wait3A_155, %dma_wait3A_156] : memref<2x128x256xf32, #tpu.memory_space<vmem>> -> memref<1x128x256xf32, #tpu.memory_space<vmem>>
          %dma_wait3A_158 = tpu.memref_squeeze %dma_wait3A_157 : memref<1x128x256xf32, #tpu.memory_space<vmem>> -> memref<128x256xf32, #tpu.memory_space<vmem>>
          tpu.wait_dma2 semaphore(%dma_wait3A_152 : memref<!tpu.dma_semaphore, #tpu.memory_space<semaphore_mem>>) src(%dma_wait3A_158 : memref<128x256xf32, #tpu.memory_space<vmem>>) dst(%dma_wait3A_154 : memref<128x256xf32, #tpu.memory_space<hbm>>)
          "tpu.trace_stop"() : () -> ()
        } else {
        }
      } else {
      }
      tpu.yield
    }) : () -> ()
    return
  }
}

module attributes {stable_mosaic.version = 14 : i64} {
  func.func @_bnorm_body(%arg0: i32, %arg1: memref<2048x256xf32, #tpu.memory_space<vmem>>, %arg2: memref<1x2048xf32, #tpu.memory_space<vmem>>) attributes {dimension_semantics = [#tpu.dimension_semantics<arbitrary>], iteration_bounds = array<i64: 4>, scalar_prefetch = 0 : i64, scratch_operands = 0 : i64, tpu.core_type = #tpu.core_type<tc>, window_params = [{transform_indices = @transform_0, window_bounds = array<i64: 2048, 256>}, {transform_indices = @transform_1, window_bounds = array<i64: 1, 2048>}]} {
    %get3A = arith.constant 0 : index
    %get3A_0 = arith.constant 0 : index
    %get3A_1 = vector.load %arg1[%get3A, %get3A_0] : memref<2048x256xf32, #tpu.memory_space<vmem>>, vector<2048x256xf32>
    %mul3A = arith.mulf %get3A_1, %get3A_1 : vector<2048x256xf32>
    %reduce_sum3A = arith.constant dense<0.000000e+00> : vector<2048xf32>
    %reduce_sum3A_2 = vector.multi_reduction <add>, %mul3A, %reduce_sum3A [1] : vector<2048x256xf32> to vector<2048xf32>
    %broadcast_in_dim3A = vector.shape_cast %reduce_sum3A_2 : vector<2048xf32> to vector<1x2048xf32>
    %swap3A = arith.constant 0 : index
    %swap3A_3 = arith.constant 0 : index
    %swap3A_4 = vector.load %arg2[%swap3A, %swap3A_3] : memref<1x2048xf32, #tpu.memory_space<vmem>>, vector<1x2048xf32>
    tpu.vector_store %arg2[%swap3A, %swap3A_3], %broadcast_in_dim3A {strides = array<i32>} : memref<1x2048xf32, #tpu.memory_space<vmem>>, vector<1x2048xf32>,
    return
  }
  func.func @transform_0(%arg0: i32) -> (i32, i32) {
    %c0_i32 = arith.constant 0 : i32
    %c0_i32_0 = arith.constant 0 : i32
    return %arg0, %c0_i32 : i32, i32
  }
  func.func @transform_1(%arg0: i32) -> (i32, i32) {
    %c0_i32 = arith.constant 0 : i32
    %c0_i32_0 = arith.constant 0 : i32
    return %c0_i32, %arg0 : i32, i32
  }
}

module attributes {stable_mosaic.version = 14 : i64} {
  func.func @_transpose_loss_body(%arg0: i32, %arg1: memref<1x576x256xf32, #tpu.memory_space<vmem>>, %arg2: memref<1x4xf32, #tpu.memory_space<vmem>>, %arg3: memref<1x256x576xf32, #tpu.memory_space<vmem>>, %arg4: memref<1x1xf32, #tpu.memory_space<vmem>>) attributes {dimension_semantics = [#tpu.dimension_semantics<arbitrary>], iteration_bounds = array<i64: 8>, scalar_prefetch = 0 : i64, scratch_operands = 0 : i64, tpu.core_type = #tpu.core_type<tc>, window_params = [{transform_indices = @transform_0, window_bounds = array<i64: 1, 576, 256>}, {pipeline_mode = #tpu.pipeline_mode<synchronous>, transform_indices = @transform_1, window_bounds = array<i64: 1, 4>}, {transform_indices = @transform_2, window_bounds = array<i64: 1, 256, 576>}, {pipeline_mode = #tpu.pipeline_mode<synchronous>, transform_indices = @transform_3, window_bounds = array<i64: 1, 1>}]} {
    %eq3A = arith.constant 0 : i32
    %eq3A_0 = arith.cmpi eq, %arg0, %eq3A : i32
    %convert_element_type3A = arith.extui %eq3A_0 : i1 to i32
    %cond3A = arith.constant 0 : i32
    %cond3A_1 = arith.cmpi ne, %convert_element_type3A, %cond3A : i32
    scf.if %cond3A_1 {
      %get3A_8 = arith.constant 0 : index
      %get3A_9 = arith.constant 0 : index
      %get3A_10 = vector.load %arg2[%get3A_8, %get3A_9] : memref<1x4xf32, #tpu.memory_space<vmem>>, vector<1x4xf32>
      %reduce_sum3A = arith.constant dense<0.000000e+00> : vector<1xf32>
      %reduce_sum3A_11 = vector.multi_reduction <add>, %get3A_10, %reduce_sum3A [1] : vector<1x4xf32> to vector<1xf32>
      %broadcast_in_dim3A = vector.shape_cast %reduce_sum3A_11 : vector<1xf32> to vector<1x1xf32>
      %mul3A = arith.constant 2.11927627E-7 : f32
      %mul3A_12 = vector.broadcast %mul3A : f32 to vector<1x1xf32>
      %mul3A_13 = arith.mulf %broadcast_in_dim3A, %mul3A_12 : vector<1x1xf32>
      %swap3A_14 = arith.constant 0 : index
      %swap3A_15 = arith.constant 0 : index
      %swap3A_16 = vector.load %arg4[%swap3A_14, %swap3A_15] : memref<1x1xf32, #tpu.memory_space<vmem>>, vector<1x1xf32>
      tpu.vector_store %arg4[%swap3A_14, %swap3A_15], %mul3A_13 {strides = array<i32>} : memref<1x1xf32, #tpu.memory_space<vmem>>, vector<1x1xf32>,
    } else {
    }
    %get3A = arith.constant 0 : index
    %get3A_2 = arith.constant 0 : index
    %get3A_3 = arith.constant 0 : index
    %get3A_4 = vector.load %arg1[%get3A, %get3A_2, %get3A_3] : memref<1x576x256xf32, #tpu.memory_space<vmem>>, vector<1x576x256xf32>
    %transpose3A = tpu.transpose %get3A_4, [0, 2, 1] : vector<1x576x256xf32> -> vector<1x256x576xf32>
    %swap3A = arith.constant 0 : index
    %swap3A_5 = arith.constant 0 : index
    %swap3A_6 = arith.constant 0 : index
    %swap3A_7 = vector.load %arg3[%swap3A, %swap3A_5, %swap3A_6] : memref<1x256x576xf32, #tpu.memory_space<vmem>>, vector<1x256x576xf32>
    tpu.vector_store %arg3[%swap3A, %swap3A_5, %swap3A_6], %transpose3A {strides = array<i32>} : memref<1x256x576xf32, #tpu.memory_space<vmem>>, vector<1x256x576xf32>,
    return
  }
  func.func @transform_0(%arg0: i32) -> (i32, i32, i32) {
    %c0_i32 = arith.constant 0 : i32
    %c0_i32_0 = arith.constant 0 : i32
    %c0_i32_1 = arith.constant 0 : i32
    return %arg0, %c0_i32, %c0_i32_0 : i32, i32, i32
  }
  func.func @transform_1(%arg0: i32) -> (i32, i32) {
    %c0_i32 = arith.constant 0 : i32
    %c0_i32_0 = arith.constant 0 : i32
    %c0_i32_1 = arith.constant 0 : i32
    return %c0_i32, %c0_i32_0 : i32, i32
  }
  func.func @transform_2(%arg0: i32) -> (i32, i32, i32) {
    %c0_i32 = arith.constant 0 : i32
    %c0_i32_0 = arith.constant 0 : i32
    %c0_i32_1 = arith.constant 0 : i32
    return %arg0, %c0_i32, %c0_i32_0 : i32, i32, i32
  }
  func.func @transform_3(%arg0: i32) -> (i32, i32) {
    %c0_i32 = arith.constant 0 : i32
    %c0_i32_0 = arith.constant 0 : i32
    %c0_i32_1 = arith.constant 0 : i32
    return %c0_i32, %c0_i32_0 : i32, i32
  }
}

module attributes {stable_mosaic.version = 14 : i64} {
  func.func @_dist_body(%arg0: i32, %arg1: memref<1152x256xf32, #tpu.memory_space<vmem>>, %arg2: memref<8192x256xf32, #tpu.memory_space<vmem>>, %arg3: memref<1x8192xf32, #tpu.memory_space<vmem>>, %arg4: memref<1x1x1152xi32, #tpu.memory_space<vmem>>, %arg5: memref<1x1x1xf32, #tpu.memory_space<vmem>>, %arg6: memref<1152x8192xf32, #tpu.memory_space<vmem>>) attributes {dimension_semantics = [#tpu.dimension_semantics<arbitrary>], iteration_bounds = array<i64: 4>, scalar_prefetch = 0 : i64, scratch_operands = 1 : i64, tpu.core_type = #tpu.core_type<tc>, window_params = [{transform_indices = @transform_0, window_bounds = array<i64: 1152, 256>}, {pipeline_mode = #tpu.pipeline_mode<synchronous>, transform_indices = @transform_1, window_bounds = array<i64: 8192, 256>}, {pipeline_mode = #tpu.pipeline_mode<synchronous>, transform_indices = @transform_2, window_bounds = array<i64: 1, 8192>}, {transform_indices = @transform_3, window_bounds = array<i64: 1, 1, 1152>}, {transform_indices = @transform_4, window_bounds = array<i64: 1, 1, 1>}]} {
    %get3A = arith.constant 0 : index
    %get3A_0 = arith.constant 0 : index
    %get3A_1 = vector.load %arg1[%get3A, %get3A_0] : memref<1152x256xf32, #tpu.memory_space<vmem>>, vector<1152x256xf32>
    %mul3A = arith.mulf %get3A_1, %get3A_1 : vector<1152x256xf32>
    %reduce_sum3A = arith.constant dense<0.000000e+00> : vector<1152xf32>
    %reduce_sum3A_2 = vector.multi_reduction <add>, %mul3A, %reduce_sum3A [1] : vector<1152x256xf32> to vector<1152xf32>
    %broadcast_in_dim3A = vector.shape_cast %reduce_sum3A_2 : vector<1152xf32> to vector<1152x1xf32>
    %add3A = arith.addf %get3A_1, %get3A_1 : vector<1152x256xf32>
    %get3A_3 = arith.constant 0 : index
    %get3A_4 = arith.constant 0 : index
    %get3A_5 = vector.load %arg2[%get3A_3, %get3A_4] : memref<8192x256xf32, #tpu.memory_space<vmem>>, vector<512x256xf32>
    %dot_general3A = arith.constant dense<0.000000e+00> : vector<1152x512xf32>
    %dot_general3A_6 = tpu.matmul %add3A, %get3A_5, %dot_general3A {dimension_numbers = #tpu.dot_dimension_numbers<[1], [1], [0], [0], [0, 0, 1, 0], [], []>, transpose_lhs_hint = false} : vector<1152x256xf32>, vector<512x256xf32>, vector<1152x512xf32> -> vector<1152x512xf32>
    %swap3A = arith.constant 0 : index
    %swap3A_7 = arith.constant 0 : index
    %swap3A_8 = vector.load %arg6[%swap3A, %swap3A_7] : memref<1152x8192xf32, #tpu.memory_space<vmem>>, vector<1152x512xf32>
    tpu.vector_store %arg6[%swap3A, %swap3A_7], %dot_general3A_6 {strides = array<i32>} : memref<1152x8192xf32, #tpu.memory_space<vmem>>, vector<1152x512xf32>,
    %get3A_9 = arith.constant 512 : index
    %get3A_10 = arith.constant 0 : index
    %get3A_11 = vector.load %arg2[%get3A_9, %get3A_10] : memref<8192x256xf32, #tpu.memory_space<vmem>>, vector<512x256xf32>
    %dot_general3A_12 = arith.constant dense<0.000000e+00> : vector<1152x512xf32>
    %dot_general3A_13 = tpu.matmul %add3A, %get3A_11, %dot_general3A_12 {dimension_numbers = #tpu.dot_dimension_numbers<[1], [1], [0], [0], [0, 0, 1, 0], [], []>, transpose_lhs_hint = false} : vector<1152x256xf32>, vector<512x256xf32>, vector<1152x512xf32> -> vector<1152x512xf32>
    %swap3A_14 = arith.constant 0 : index
    %swap3A_15 = arith.constant 512 : index
    %swap3A_16 = vector.load %arg6[%swap3A_14, %swap3A_15] : memref<1152x8192xf32, #tpu.memory_space<vmem>>, vector<1152x512xf32>
    tpu.vector_store %arg6[%swap3A_14, %swap3A_15], %dot_general3A_13 {strides = array<i32>} : memref<1152x8192xf32, #tpu.memory_space<vmem>>, vector<1152x512xf32>,
    %get3A_17 = arith.constant 1024 : index
    %get3A_18 = arith.constant 0 : index
    %get3A_19 = vector.load %arg2[%get3A_17, %get3A_18] : memref<8192x256xf32, #tpu.memory_space<vmem>>, vector<512x256xf32>
    %dot_general3A_20 = arith.constant dense<0.000000e+00> : vector<1152x512xf32>
    %dot_general3A_21 = tpu.matmul %add3A, %get3A_19, %dot_general3A_20 {dimension_numbers = #tpu.dot_dimension_numbers<[1], [1], [0], [0], [0, 0, 1, 0], [], []>, transpose_lhs_hint = false} : vector<1152x256xf32>, vector<512x256xf32>, vector<1152x512xf32> -> vector<1152x512xf32>
    %swap3A_22 = arith.constant 0 : index
    %swap3A_23 = arith.constant 1024 : index
    %swap3A_24 = vector.load %arg6[%swap3A_22, %swap3A_23] : memref<1152x8192xf32, #tpu.memory_space<vmem>>, vector<1152x512xf32>
    tpu.vector_store %arg6[%swap3A_22, %swap3A_23], %dot_general3A_21 {strides = array<i32>} : memref<1152x8192xf32, #tpu.memory_space<vmem>>, vector<1152x512xf32>,
    %get3A_25 = arith.constant 1536 : index
    %get3A_26 = arith.constant 0 : index
    %get3A_27 = vector.load %arg2[%get3A_25, %get3A_26] : memref<8192x256xf32, #tpu.memory_space<vmem>>, vector<512x256xf32>
    %dot_general3A_28 = arith.constant dense<0.000000e+00> : vector<1152x512xf32>
    %dot_general3A_29 = tpu.matmul %add3A, %get3A_27, %dot_general3A_28 {dimension_numbers = #tpu.dot_dimension_numbers<[1], [1], [0], [0], [0, 0, 1, 0], [], []>, transpose_lhs_hint = false} : vector<1152x256xf32>, vector<512x256xf32>, vector<1152x512xf32> -> vector<1152x512xf32>
    %swap3A_30 = arith.constant 0 : index
    %swap3A_31 = arith.constant 1536 : index
    %swap3A_32 = vector.load %arg6[%swap3A_30, %swap3A_31] : memref<1152x8192xf32, #tpu.memory_space<vmem>>, vector<1152x512xf32>
    tpu.vector_store %arg6[%swap3A_30, %swap3A_31], %dot_general3A_29 {strides = array<i32>} : memref<1152x8192xf32, #tpu.memory_space<vmem>>, vector<1152x512xf32>,
    %get3A_33 = arith.constant 2048 : index
    %get3A_34 = arith.constant 0 : index
    %get3A_35 = vector.load %arg2[%get3A_33, %get3A_34] : memref<8192x256xf32, #tpu.memory_space<vmem>>, vector<512x256xf32>
    %dot_general3A_36 = arith.constant dense<0.000000e+00> : vector<1152x512xf32>
    %dot_general3A_37 = tpu.matmul %add3A, %get3A_35, %dot_general3A_36 {dimension_numbers = #tpu.dot_dimension_numbers<[1], [1], [0], [0], [0, 0, 1, 0], [], []>, transpose_lhs_hint = false} : vector<1152x256xf32>, vector<512x256xf32>, vector<1152x512xf32> -> vector<1152x512xf32>
    %swap3A_38 = arith.constant 0 : index
    %swap3A_39 = arith.constant 2048 : index
    %swap3A_40 = vector.load %arg6[%swap3A_38, %swap3A_39] : memref<1152x8192xf32, #tpu.memory_space<vmem>>, vector<1152x512xf32>
    tpu.vector_store %arg6[%swap3A_38, %swap3A_39], %dot_general3A_37 {strides = array<i32>} : memref<1152x8192xf32, #tpu.memory_space<vmem>>, vector<1152x512xf32>,
    %get3A_41 = arith.constant 2560 : index
    %get3A_42 = arith.constant 0 : index
    %get3A_43 = vector.load %arg2[%get3A_41, %get3A_42] : memref<8192x256xf32, #tpu.memory_space<vmem>>, vector<512x256xf32>
    %dot_general3A_44 = arith.constant dense<0.000000e+00> : vector<1152x512xf32>
    %dot_general3A_45 = tpu.matmul %add3A, %get3A_43, %dot_general3A_44 {dimension_numbers = #tpu.dot_dimension_numbers<[1], [1], [0], [0], [0, 0, 1, 0], [], []>, transpose_lhs_hint = false} : vector<1152x256xf32>, vector<512x256xf32>, vector<1152x512xf32> -> vector<1152x512xf32>
    %swap3A_46 = arith.constant 0 : index
    %swap3A_47 = arith.constant 2560 : index
    %swap3A_48 = vector.load %arg6[%swap3A_46, %swap3A_47] : memref<1152x8192xf32, #tpu.memory_space<vmem>>, vector<1152x512xf32>
    tpu.vector_store %arg6[%swap3A_46, %swap3A_47], %dot_general3A_45 {strides = array<i32>} : memref<1152x8192xf32, #tpu.memory_space<vmem>>, vector<1152x512xf32>,
    %get3A_49 = arith.constant 3072 : index
    %get3A_50 = arith.constant 0 : index
    %get3A_51 = vector.load %arg2[%get3A_49, %get3A_50] : memref<8192x256xf32, #tpu.memory_space<vmem>>, vector<512x256xf32>
    %dot_general3A_52 = arith.constant dense<0.000000e+00> : vector<1152x512xf32>
    %dot_general3A_53 = tpu.matmul %add3A, %get3A_51, %dot_general3A_52 {dimension_numbers = #tpu.dot_dimension_numbers<[1], [1], [0], [0], [0, 0, 1, 0], [], []>, transpose_lhs_hint = false} : vector<1152x256xf32>, vector<512x256xf32>, vector<1152x512xf32> -> vector<1152x512xf32>
    %swap3A_54 = arith.constant 0 : index
    %swap3A_55 = arith.constant 3072 : index
    %swap3A_56 = vector.load %arg6[%swap3A_54, %swap3A_55] : memref<1152x8192xf32, #tpu.memory_space<vmem>>, vector<1152x512xf32>
    tpu.vector_store %arg6[%swap3A_54, %swap3A_55], %dot_general3A_53 {strides = array<i32>} : memref<1152x8192xf32, #tpu.memory_space<vmem>>, vector<1152x512xf32>,
    %get3A_57 = arith.constant 3584 : index
    %get3A_58 = arith.constant 0 : index
    %get3A_59 = vector.load %arg2[%get3A_57, %get3A_58] : memref<8192x256xf32, #tpu.memory_space<vmem>>, vector<512x256xf32>
    %dot_general3A_60 = arith.constant dense<0.000000e+00> : vector<1152x512xf32>
    %dot_general3A_61 = tpu.matmul %add3A, %get3A_59, %dot_general3A_60 {dimension_numbers = #tpu.dot_dimension_numbers<[1], [1], [0], [0], [0, 0, 1, 0], [], []>, transpose_lhs_hint = false} : vector<1152x256xf32>, vector<512x256xf32>, vector<1152x512xf32> -> vector<1152x512xf32>
    %swap3A_62 = arith.constant 0 : index
    %swap3A_63 = arith.constant 3584 : index
    %swap3A_64 = vector.load %arg6[%swap3A_62, %swap3A_63] : memref<1152x8192xf32, #tpu.memory_space<vmem>>, vector<1152x512xf32>
    tpu.vector_store %arg6[%swap3A_62, %swap3A_63], %dot_general3A_61 {strides = array<i32>} : memref<1152x8192xf32, #tpu.memory_space<vmem>>, vector<1152x512xf32>,
    %get3A_65 = arith.constant 4096 : index
    %get3A_66 = arith.constant 0 : index
    %get3A_67 = vector.load %arg2[%get3A_65, %get3A_66] : memref<8192x256xf32, #tpu.memory_space<vmem>>, vector<512x256xf32>
    %dot_general3A_68 = arith.constant dense<0.000000e+00> : vector<1152x512xf32>
    %dot_general3A_69 = tpu.matmul %add3A, %get3A_67, %dot_general3A_68 {dimension_numbers = #tpu.dot_dimension_numbers<[1], [1], [0], [0], [0, 0, 1, 0], [], []>, transpose_lhs_hint = false} : vector<1152x256xf32>, vector<512x256xf32>, vector<1152x512xf32> -> vector<1152x512xf32>
    %swap3A_70 = arith.constant 0 : index
    %swap3A_71 = arith.constant 4096 : index
    %swap3A_72 = vector.load %arg6[%swap3A_70, %swap3A_71] : memref<1152x8192xf32, #tpu.memory_space<vmem>>, vector<1152x512xf32>
    tpu.vector_store %arg6[%swap3A_70, %swap3A_71], %dot_general3A_69 {strides = array<i32>} : memref<1152x8192xf32, #tpu.memory_space<vmem>>, vector<1152x512xf32>,
    %get3A_73 = arith.constant 4608 : index
    %get3A_74 = arith.constant 0 : index
    %get3A_75 = vector.load %arg2[%get3A_73, %get3A_74] : memref<8192x256xf32, #tpu.memory_space<vmem>>, vector<512x256xf32>
    %dot_general3A_76 = arith.constant dense<0.000000e+00> : vector<1152x512xf32>
    %dot_general3A_77 = tpu.matmul %add3A, %get3A_75, %dot_general3A_76 {dimension_numbers = #tpu.dot_dimension_numbers<[1], [1], [0], [0], [0, 0, 1, 0], [], []>, transpose_lhs_hint = false} : vector<1152x256xf32>, vector<512x256xf32>, vector<1152x512xf32> -> vector<1152x512xf32>
    %swap3A_78 = arith.constant 0 : index
    %swap3A_79 = arith.constant 4608 : index
    %swap3A_80 = vector.load %arg6[%swap3A_78, %swap3A_79] : memref<1152x8192xf32, #tpu.memory_space<vmem>>, vector<1152x512xf32>
    tpu.vector_store %arg6[%swap3A_78, %swap3A_79], %dot_general3A_77 {strides = array<i32>} : memref<1152x8192xf32, #tpu.memory_space<vmem>>, vector<1152x512xf32>,
    %get3A_81 = arith.constant 5120 : index
    %get3A_82 = arith.constant 0 : index
    %get3A_83 = vector.load %arg2[%get3A_81, %get3A_82] : memref<8192x256xf32, #tpu.memory_space<vmem>>, vector<512x256xf32>
    %dot_general3A_84 = arith.constant dense<0.000000e+00> : vector<1152x512xf32>
    %dot_general3A_85 = tpu.matmul %add3A, %get3A_83, %dot_general3A_84 {dimension_numbers = #tpu.dot_dimension_numbers<[1], [1], [0], [0], [0, 0, 1, 0], [], []>, transpose_lhs_hint = false} : vector<1152x256xf32>, vector<512x256xf32>, vector<1152x512xf32> -> vector<1152x512xf32>
    %swap3A_86 = arith.constant 0 : index
    %swap3A_87 = arith.constant 5120 : index
    %swap3A_88 = vector.load %arg6[%swap3A_86, %swap3A_87] : memref<1152x8192xf32, #tpu.memory_space<vmem>>, vector<1152x512xf32>
    tpu.vector_store %arg6[%swap3A_86, %swap3A_87], %dot_general3A_85 {strides = array<i32>} : memref<1152x8192xf32, #tpu.memory_space<vmem>>, vector<1152x512xf32>,
    %get3A_89 = arith.constant 5632 : index
    %get3A_90 = arith.constant 0 : index
    %get3A_91 = vector.load %arg2[%get3A_89, %get3A_90] : memref<8192x256xf32, #tpu.memory_space<vmem>>, vector<512x256xf32>
    %dot_general3A_92 = arith.constant dense<0.000000e+00> : vector<1152x512xf32>
    %dot_general3A_93 = tpu.matmul %add3A, %get3A_91, %dot_general3A_92 {dimension_numbers = #tpu.dot_dimension_numbers<[1], [1], [0], [0], [0, 0, 1, 0], [], []>, transpose_lhs_hint = false} : vector<1152x256xf32>, vector<512x256xf32>, vector<1152x512xf32> -> vector<1152x512xf32>
    %swap3A_94 = arith.constant 0 : index
    %swap3A_95 = arith.constant 5632 : index
    %swap3A_96 = vector.load %arg6[%swap3A_94, %swap3A_95] : memref<1152x8192xf32, #tpu.memory_space<vmem>>, vector<1152x512xf32>
    tpu.vector_store %arg6[%swap3A_94, %swap3A_95], %dot_general3A_93 {strides = array<i32>} : memref<1152x8192xf32, #tpu.memory_space<vmem>>, vector<1152x512xf32>,
    %get3A_97 = arith.constant 6144 : index
    %get3A_98 = arith.constant 0 : index
    %get3A_99 = vector.load %arg2[%get3A_97, %get3A_98] : memref<8192x256xf32, #tpu.memory_space<vmem>>, vector<512x256xf32>
    %dot_general3A_100 = arith.constant dense<0.000000e+00> : vector<1152x512xf32>
    %dot_general3A_101 = tpu.matmul %add3A, %get3A_99, %dot_general3A_100 {dimension_numbers = #tpu.dot_dimension_numbers<[1], [1], [0], [0], [0, 0, 1, 0], [], []>, transpose_lhs_hint = false} : vector<1152x256xf32>, vector<512x256xf32>, vector<1152x512xf32> -> vector<1152x512xf32>
    %swap3A_102 = arith.constant 0 : index
    %swap3A_103 = arith.constant 6144 : index
    %swap3A_104 = vector.load %arg6[%swap3A_102, %swap3A_103] : memref<1152x8192xf32, #tpu.memory_space<vmem>>, vector<1152x512xf32>
    tpu.vector_store %arg6[%swap3A_102, %swap3A_103], %dot_general3A_101 {strides = array<i32>} : memref<1152x8192xf32, #tpu.memory_space<vmem>>, vector<1152x512xf32>,
    %get3A_105 = arith.constant 6656 : index
    %get3A_106 = arith.constant 0 : index
    %get3A_107 = vector.load %arg2[%get3A_105, %get3A_106] : memref<8192x256xf32, #tpu.memory_space<vmem>>, vector<512x256xf32>
    %dot_general3A_108 = arith.constant dense<0.000000e+00> : vector<1152x512xf32>
    %dot_general3A_109 = tpu.matmul %add3A, %get3A_107, %dot_general3A_108 {dimension_numbers = #tpu.dot_dimension_numbers<[1], [1], [0], [0], [0, 0, 1, 0], [], []>, transpose_lhs_hint = false} : vector<1152x256xf32>, vector<512x256xf32>, vector<1152x512xf32> -> vector<1152x512xf32>
    %swap3A_110 = arith.constant 0 : index
    %swap3A_111 = arith.constant 6656 : index
    %swap3A_112 = vector.load %arg6[%swap3A_110, %swap3A_111] : memref<1152x8192xf32, #tpu.memory_space<vmem>>, vector<1152x512xf32>
    tpu.vector_store %arg6[%swap3A_110, %swap3A_111], %dot_general3A_109 {strides = array<i32>} : memref<1152x8192xf32, #tpu.memory_space<vmem>>, vector<1152x512xf32>,
    %get3A_113 = arith.constant 7168 : index
    %get3A_114 = arith.constant 0 : index
    %get3A_115 = vector.load %arg2[%get3A_113, %get3A_114] : memref<8192x256xf32, #tpu.memory_space<vmem>>, vector<512x256xf32>
    %dot_general3A_116 = arith.constant dense<0.000000e+00> : vector<1152x512xf32>
    %dot_general3A_117 = tpu.matmul %add3A, %get3A_115, %dot_general3A_116 {dimension_numbers = #tpu.dot_dimension_numbers<[1], [1], [0], [0], [0, 0, 1, 0], [], []>, transpose_lhs_hint = false} : vector<1152x256xf32>, vector<512x256xf32>, vector<1152x512xf32> -> vector<1152x512xf32>
    %swap3A_118 = arith.constant 0 : index
    %swap3A_119 = arith.constant 7168 : index
    %swap3A_120 = vector.load %arg6[%swap3A_118, %swap3A_119] : memref<1152x8192xf32, #tpu.memory_space<vmem>>, vector<1152x512xf32>
    tpu.vector_store %arg6[%swap3A_118, %swap3A_119], %dot_general3A_117 {strides = array<i32>} : memref<1152x8192xf32, #tpu.memory_space<vmem>>, vector<1152x512xf32>,
    %get3A_121 = arith.constant 7680 : index
    %get3A_122 = arith.constant 0 : index
    %get3A_123 = vector.load %arg2[%get3A_121, %get3A_122] : memref<8192x256xf32, #tpu.memory_space<vmem>>, vector<512x256xf32>
    %dot_general3A_124 = arith.constant dense<0.000000e+00> : vector<1152x512xf32>
    %dot_general3A_125 = tpu.matmul %add3A, %get3A_123, %dot_general3A_124 {dimension_numbers = #tpu.dot_dimension_numbers<[1], [1], [0], [0], [0, 0, 1, 0], [], []>, transpose_lhs_hint = false} : vector<1152x256xf32>, vector<512x256xf32>, vector<1152x512xf32> -> vector<1152x512xf32>
    %swap3A_126 = arith.constant 0 : index
    %swap3A_127 = arith.constant 7680 : index
    %swap3A_128 = vector.load %arg6[%swap3A_126, %swap3A_127] : memref<1152x8192xf32, #tpu.memory_space<vmem>>, vector<1152x512xf32>
    tpu.vector_store %arg6[%swap3A_126, %swap3A_127], %dot_general3A_125 {strides = array<i32>} : memref<1152x8192xf32, #tpu.memory_space<vmem>>, vector<1152x512xf32>,
    %get3A_129 = arith.constant 0 : index
    %get3A_130 = arith.constant 0 : index
    %get3A_131 = vector.load %arg3[%get3A_129, %get3A_130] : memref<1x8192xf32, #tpu.memory_space<vmem>>, vector<1x128xf32>
    %add3A_132 = vector.broadcast %broadcast_in_dim3A : vector<1152x1xf32> to vector<1152x128xf32>
    %add3A_133 = vector.broadcast %get3A_131 : vector<1x128xf32> to vector<1152x128xf32>
    %add3A_134 = arith.addf %add3A_132, %add3A_133 : vector<1152x128xf32>
    %get3A_135 = arith.constant 0 : index
    %get3A_136 = arith.constant 0 : index
    %get3A_137 = vector.load %arg6[%get3A_135, %get3A_136] : memref<1152x8192xf32, #tpu.memory_space<vmem>>, vector<1152x128xf32>
    %sub3A = arith.subf %add3A_134, %get3A_137 : vector<1152x128xf32>
    %broadcast_in_dim3A_138 = arith.constant 0 : i32
    %broadcast_in_dim3A_139 = vector.broadcast %broadcast_in_dim3A_138 : i32 to vector<1152x128xi32>
    %get3A_140 = arith.constant 0 : index
    %get3A_141 = arith.constant 128 : index
    %get3A_142 = vector.load %arg3[%get3A_140, %get3A_141] : memref<1x8192xf32, #tpu.memory_space<vmem>>, vector<1x128xf32>
    %add3A_143 = vector.broadcast %broadcast_in_dim3A : vector<1152x1xf32> to vector<1152x128xf32>
    %add3A_144 = vector.broadcast %get3A_142 : vector<1x128xf32> to vector<1152x128xf32>
    %add3A_145 = arith.addf %add3A_143, %add3A_144 : vector<1152x128xf32>
    %get3A_146 = arith.constant 0 : index
    %get3A_147 = arith.constant 128 : index
    %get3A_148 = vector.load %arg6[%get3A_146, %get3A_147] : memref<1152x8192xf32, #tpu.memory_space<vmem>>, vector<1152x128xf32>
    %sub3A_149 = arith.subf %add3A_145, %get3A_148 : vector<1152x128xf32>
    %lt3A = arith.cmpf olt, %sub3A_149, %sub3A : vector<1152x128xf32>
    %min3A = arith.minimumf %sub3A, %sub3A_149 : vector<1152x128xf32>
    %jit3A = arith.constant 1 : i32
    %broadcast_in_dim3A_150 = vector.broadcast %jit3A : i32 to vector<1152x128xi32>
    %select_n3A = arith.select %lt3A, %broadcast_in_dim3A_150, %broadcast_in_dim3A_139 : vector<1152x128xi1>, vector<1152x128xi32>
    %get3A_151 = arith.constant 0 : index
    %get3A_152 = arith.constant 256 : index
    %get3A_153 = vector.load %arg3[%get3A_151, %get3A_152] : memref<1x8192xf32, #tpu.memory_space<vmem>>, vector<1x128xf32>
    %add3A_154 = vector.broadcast %broadcast_in_dim3A : vector<1152x1xf32> to vector<1152x128xf32>
    %add3A_155 = vector.broadcast %get3A_153 : vector<1x128xf32> to vector<1152x128xf32>
    %add3A_156 = arith.addf %add3A_154, %add3A_155 : vector<1152x128xf32>
    %get3A_157 = arith.constant 0 : index
    %get3A_158 = arith.constant 256 : index
    %get3A_159 = vector.load %arg6[%get3A_157, %get3A_158] : memref<1152x8192xf32, #tpu.memory_space<vmem>>, vector<1152x128xf32>
    %sub3A_160 = arith.subf %add3A_156, %get3A_159 : vector<1152x128xf32>
    %lt3A_161 = arith.cmpf olt, %sub3A_160, %min3A : vector<1152x128xf32>
    %min3A_162 = arith.minimumf %min3A, %sub3A_160 : vector<1152x128xf32>
    %jit3A_163 = arith.constant 2 : i32
    %broadcast_in_dim3A_164 = vector.broadcast %jit3A_163 : i32 to vector<1152x128xi32>
    %select_n3A_165 = arith.select %lt3A_161, %broadcast_in_dim3A_164, %select_n3A : vector<1152x128xi1>, vector<1152x128xi32>
    %get3A_166 = arith.constant 0 : index
    %get3A_167 = arith.constant 384 : index
    %get3A_168 = vector.load %arg3[%get3A_166, %get3A_167] : memref<1x8192xf32, #tpu.memory_space<vmem>>, vector<1x128xf32>
    %add3A_169 = vector.broadcast %broadcast_in_dim3A : vector<1152x1xf32> to vector<1152x128xf32>
    %add3A_170 = vector.broadcast %get3A_168 : vector<1x128xf32> to vector<1152x128xf32>
    %add3A_171 = arith.addf %add3A_169, %add3A_170 : vector<1152x128xf32>
    %get3A_172 = arith.constant 0 : index
    %get3A_173 = arith.constant 384 : index
    %get3A_174 = vector.load %arg6[%get3A_172, %get3A_173] : memref<1152x8192xf32, #tpu.memory_space<vmem>>, vector<1152x128xf32>
    %sub3A_175 = arith.subf %add3A_171, %get3A_174 : vector<1152x128xf32>
    %lt3A_176 = arith.cmpf olt, %sub3A_175, %min3A_162 : vector<1152x128xf32>
    %min3A_177 = arith.minimumf %min3A_162, %sub3A_175 : vector<1152x128xf32>
    %jit3A_178 = arith.constant 3 : i32
    %broadcast_in_dim3A_179 = vector.broadcast %jit3A_178 : i32 to vector<1152x128xi32>
    %select_n3A_180 = arith.select %lt3A_176, %broadcast_in_dim3A_179, %select_n3A_165 : vector<1152x128xi1>, vector<1152x128xi32>
    %get3A_181 = arith.constant 0 : index
    %get3A_182 = arith.constant 512 : index
    %get3A_183 = vector.load %arg3[%get3A_181, %get3A_182] : memref<1x8192xf32, #tpu.memory_space<vmem>>, vector<1x128xf32>
    %add3A_184 = vector.broadcast %broadcast_in_dim3A : vector<1152x1xf32> to vector<1152x128xf32>
    %add3A_185 = vector.broadcast %get3A_183 : vector<1x128xf32> to vector<1152x128xf32>
    %add3A_186 = arith.addf %add3A_184, %add3A_185 : vector<1152x128xf32>
    %get3A_187 = arith.constant 0 : index
    %get3A_188 = arith.constant 512 : index
    %get3A_189 = vector.load %arg6[%get3A_187, %get3A_188] : memref<1152x8192xf32, #tpu.memory_space<vmem>>, vector<1152x128xf32>
    %sub3A_190 = arith.subf %add3A_186, %get3A_189 : vector<1152x128xf32>
    %lt3A_191 = arith.cmpf olt, %sub3A_190, %min3A_177 : vector<1152x128xf32>
    %min3A_192 = arith.minimumf %min3A_177, %sub3A_190 : vector<1152x128xf32>
    %jit3A_193 = arith.constant 4 : i32
    %broadcast_in_dim3A_194 = vector.broadcast %jit3A_193 : i32 to vector<1152x128xi32>
    %select_n3A_195 = arith.select %lt3A_191, %broadcast_in_dim3A_194, %select_n3A_180 : vector<1152x128xi1>, vector<1152x128xi32>
    %get3A_196 = arith.constant 0 : index
    %get3A_197 = arith.constant 640 : index
    %get3A_198 = vector.load %arg3[%get3A_196, %get3A_197] : memref<1x8192xf32, #tpu.memory_space<vmem>>, vector<1x128xf32>
    %add3A_199 = vector.broadcast %broadcast_in_dim3A : vector<1152x1xf32> to vector<1152x128xf32>
    %add3A_200 = vector.broadcast %get3A_198 : vector<1x128xf32> to vector<1152x128xf32>
    %add3A_201 = arith.addf %add3A_199, %add3A_200 : vector<1152x128xf32>
    %get3A_202 = arith.constant 0 : index
    %get3A_203 = arith.constant 640 : index
    %get3A_204 = vector.load %arg6[%get3A_202, %get3A_203] : memref<1152x8192xf32, #tpu.memory_space<vmem>>, vector<1152x128xf32>
    %sub3A_205 = arith.subf %add3A_201, %get3A_204 : vector<1152x128xf32>
    %lt3A_206 = arith.cmpf olt, %sub3A_205, %min3A_192 : vector<1152x128xf32>
    %min3A_207 = arith.minimumf %min3A_192, %sub3A_205 : vector<1152x128xf32>
    %jit3A_208 = arith.constant 5 : i32
    %broadcast_in_dim3A_209 = vector.broadcast %jit3A_208 : i32 to vector<1152x128xi32>
    %select_n3A_210 = arith.select %lt3A_206, %broadcast_in_dim3A_209, %select_n3A_195 : vector<1152x128xi1>, vector<1152x128xi32>
    %get3A_211 = arith.constant 0 : index
    %get3A_212 = arith.constant 768 : index
    %get3A_213 = vector.load %arg3[%get3A_211, %get3A_212] : memref<1x8192xf32, #tpu.memory_space<vmem>>, vector<1x128xf32>
    %add3A_214 = vector.broadcast %broadcast_in_dim3A : vector<1152x1xf32> to vector<1152x128xf32>
    %add3A_215 = vector.broadcast %get3A_213 : vector<1x128xf32> to vector<1152x128xf32>
    %add3A_216 = arith.addf %add3A_214, %add3A_215 : vector<1152x128xf32>
    %get3A_217 = arith.constant 0 : index
    %get3A_218 = arith.constant 768 : index
    %get3A_219 = vector.load %arg6[%get3A_217, %get3A_218] : memref<1152x8192xf32, #tpu.memory_space<vmem>>, vector<1152x128xf32>
    %sub3A_220 = arith.subf %add3A_216, %get3A_219 : vector<1152x128xf32>
    %lt3A_221 = arith.cmpf olt, %sub3A_220, %min3A_207 : vector<1152x128xf32>
    %min3A_222 = arith.minimumf %min3A_207, %sub3A_220 : vector<1152x128xf32>
    %jit3A_223 = arith.constant 6 : i32
    %broadcast_in_dim3A_224 = vector.broadcast %jit3A_223 : i32 to vector<1152x128xi32>
    %select_n3A_225 = arith.select %lt3A_221, %broadcast_in_dim3A_224, %select_n3A_210 : vector<1152x128xi1>, vector<1152x128xi32>
    %get3A_226 = arith.constant 0 : index
    %get3A_227 = arith.constant 896 : index
    %get3A_228 = vector.load %arg3[%get3A_226, %get3A_227] : memref<1x8192xf32, #tpu.memory_space<vmem>>, vector<1x128xf32>
    %add3A_229 = vector.broadcast %broadcast_in_dim3A : vector<1152x1xf32> to vector<1152x128xf32>
    %add3A_230 = vector.broadcast %get3A_228 : vector<1x128xf32> to vector<1152x128xf32>
    %add3A_231 = arith.addf %add3A_229, %add3A_230 : vector<1152x128xf32>
    %get3A_232 = arith.constant 0 : index
    %get3A_233 = arith.constant 896 : index
    %get3A_234 = vector.load %arg6[%get3A_232, %get3A_233] : memref<1152x8192xf32, #tpu.memory_space<vmem>>, vector<1152x128xf32>
    %sub3A_235 = arith.subf %add3A_231, %get3A_234 : vector<1152x128xf32>
    %lt3A_236 = arith.cmpf olt, %sub3A_235, %min3A_222 : vector<1152x128xf32>
    %min3A_237 = arith.minimumf %min3A_222, %sub3A_235 : vector<1152x128xf32>
    %jit3A_238 = arith.constant 7 : i32
    %broadcast_in_dim3A_239 = vector.broadcast %jit3A_238 : i32 to vector<1152x128xi32>
    %select_n3A_240 = arith.select %lt3A_236, %broadcast_in_dim3A_239, %select_n3A_225 : vector<1152x128xi1>, vector<1152x128xi32>
    %get3A_241 = arith.constant 0 : index
    %get3A_242 = arith.constant 1024 : index
    %get3A_243 = vector.load %arg3[%get3A_241, %get3A_242] : memref<1x8192xf32, #tpu.memory_space<vmem>>, vector<1x128xf32>
    %add3A_244 = vector.broadcast %broadcast_in_dim3A : vector<1152x1xf32> to vector<1152x128xf32>
    %add3A_245 = vector.broadcast %get3A_243 : vector<1x128xf32> to vector<1152x128xf32>
    %add3A_246 = arith.addf %add3A_244, %add3A_245 : vector<1152x128xf32>
    %get3A_247 = arith.constant 0 : index
    %get3A_248 = arith.constant 1024 : index
    %get3A_249 = vector.load %arg6[%get3A_247, %get3A_248] : memref<1152x8192xf32, #tpu.memory_space<vmem>>, vector<1152x128xf32>
    %sub3A_250 = arith.subf %add3A_246, %get3A_249 : vector<1152x128xf32>
    %lt3A_251 = arith.cmpf olt, %sub3A_250, %min3A_237 : vector<1152x128xf32>
    %min3A_252 = arith.minimumf %min3A_237, %sub3A_250 : vector<1152x128xf32>
    %jit3A_253 = arith.constant 8 : i32
    %broadcast_in_dim3A_254 = vector.broadcast %jit3A_253 : i32 to vector<1152x128xi32>
    %select_n3A_255 = arith.select %lt3A_251, %broadcast_in_dim3A_254, %select_n3A_240 : vector<1152x128xi1>, vector<1152x128xi32>
    %get3A_256 = arith.constant 0 : index
    %get3A_257 = arith.constant 1152 : index
    %get3A_258 = vector.load %arg3[%get3A_256, %get3A_257] : memref<1x8192xf32, #tpu.memory_space<vmem>>, vector<1x128xf32>
    %add3A_259 = vector.broadcast %broadcast_in_dim3A : vector<1152x1xf32> to vector<1152x128xf32>
    %add3A_260 = vector.broadcast %get3A_258 : vector<1x128xf32> to vector<1152x128xf32>
    %add3A_261 = arith.addf %add3A_259, %add3A_260 : vector<1152x128xf32>
    %get3A_262 = arith.constant 0 : index
    %get3A_263 = arith.constant 1152 : index
    %get3A_264 = vector.load %arg6[%get3A_262, %get3A_263] : memref<1152x8192xf32, #tpu.memory_space<vmem>>, vector<1152x128xf32>
    %sub3A_265 = arith.subf %add3A_261, %get3A_264 : vector<1152x128xf32>
    %lt3A_266 = arith.cmpf olt, %sub3A_265, %min3A_252 : vector<1152x128xf32>
    %min3A_267 = arith.minimumf %min3A_252, %sub3A_265 : vector<1152x128xf32>
    %jit3A_268 = arith.constant 9 : i32
    %broadcast_in_dim3A_269 = vector.broadcast %jit3A_268 : i32 to vector<1152x128xi32>
    %select_n3A_270 = arith.select %lt3A_266, %broadcast_in_dim3A_269, %select_n3A_255 : vector<1152x128xi1>, vector<1152x128xi32>
    %get3A_271 = arith.constant 0 : index
    %get3A_272 = arith.constant 1280 : index
    %get3A_273 = vector.load %arg3[%get3A_271, %get3A_272] : memref<1x8192xf32, #tpu.memory_space<vmem>>, vector<1x128xf32>
    %add3A_274 = vector.broadcast %broadcast_in_dim3A : vector<1152x1xf32> to vector<1152x128xf32>
    %add3A_275 = vector.broadcast %get3A_273 : vector<1x128xf32> to vector<1152x128xf32>
    %add3A_276 = arith.addf %add3A_274, %add3A_275 : vector<1152x128xf32>
    %get3A_277 = arith.constant 0 : index
    %get3A_278 = arith.constant 1280 : index
    %get3A_279 = vector.load %arg6[%get3A_277, %get3A_278] : memref<1152x8192xf32, #tpu.memory_space<vmem>>, vector<1152x128xf32>
    %sub3A_280 = arith.subf %add3A_276, %get3A_279 : vector<1152x128xf32>
    %lt3A_281 = arith.cmpf olt, %sub3A_280, %min3A_267 : vector<1152x128xf32>
    %min3A_282 = arith.minimumf %min3A_267, %sub3A_280 : vector<1152x128xf32>
    %jit3A_283 = arith.constant 10 : i32
    %broadcast_in_dim3A_284 = vector.broadcast %jit3A_283 : i32 to vector<1152x128xi32>
    %select_n3A_285 = arith.select %lt3A_281, %broadcast_in_dim3A_284, %select_n3A_270 : vector<1152x128xi1>, vector<1152x128xi32>
    %get3A_286 = arith.constant 0 : index
    %get3A_287 = arith.constant 1408 : index
    %get3A_288 = vector.load %arg3[%get3A_286, %get3A_287] : memref<1x8192xf32, #tpu.memory_space<vmem>>, vector<1x128xf32>
    %add3A_289 = vector.broadcast %broadcast_in_dim3A : vector<1152x1xf32> to vector<1152x128xf32>
    %add3A_290 = vector.broadcast %get3A_288 : vector<1x128xf32> to vector<1152x128xf32>
    %add3A_291 = arith.addf %add3A_289, %add3A_290 : vector<1152x128xf32>
    %get3A_292 = arith.constant 0 : index
    %get3A_293 = arith.constant 1408 : index
    %get3A_294 = vector.load %arg6[%get3A_292, %get3A_293] : memref<1152x8192xf32, #tpu.memory_space<vmem>>, vector<1152x128xf32>
    %sub3A_295 = arith.subf %add3A_291, %get3A_294 : vector<1152x128xf32>
    %lt3A_296 = arith.cmpf olt, %sub3A_295, %min3A_282 : vector<1152x128xf32>
    %min3A_297 = arith.minimumf %min3A_282, %sub3A_295 : vector<1152x128xf32>
    %jit3A_298 = arith.constant 11 : i32
    %broadcast_in_dim3A_299 = vector.broadcast %jit3A_298 : i32 to vector<1152x128xi32>
    %select_n3A_300 = arith.select %lt3A_296, %broadcast_in_dim3A_299, %select_n3A_285 : vector<1152x128xi1>, vector<1152x128xi32>
    %get3A_301 = arith.constant 0 : index
    %get3A_302 = arith.constant 1536 : index
    %get3A_303 = vector.load %arg3[%get3A_301, %get3A_302] : memref<1x8192xf32, #tpu.memory_space<vmem>>, vector<1x128xf32>
    %add3A_304 = vector.broadcast %broadcast_in_dim3A : vector<1152x1xf32> to vector<1152x128xf32>
    %add3A_305 = vector.broadcast %get3A_303 : vector<1x128xf32> to vector<1152x128xf32>
    %add3A_306 = arith.addf %add3A_304, %add3A_305 : vector<1152x128xf32>
    %get3A_307 = arith.constant 0 : index
    %get3A_308 = arith.constant 1536 : index
    %get3A_309 = vector.load %arg6[%get3A_307, %get3A_308] : memref<1152x8192xf32, #tpu.memory_space<vmem>>, vector<1152x128xf32>
    %sub3A_310 = arith.subf %add3A_306, %get3A_309 : vector<1152x128xf32>
    %lt3A_311 = arith.cmpf olt, %sub3A_310, %min3A_297 : vector<1152x128xf32>
    %min3A_312 = arith.minimumf %min3A_297, %sub3A_310 : vector<1152x128xf32>
    %jit3A_313 = arith.constant 12 : i32
    %broadcast_in_dim3A_314 = vector.broadcast %jit3A_313 : i32 to vector<1152x128xi32>
    %select_n3A_315 = arith.select %lt3A_311, %broadcast_in_dim3A_314, %select_n3A_300 : vector<1152x128xi1>, vector<1152x128xi32>
    %get3A_316 = arith.constant 0 : index
    %get3A_317 = arith.constant 1664 : index
    %get3A_318 = vector.load %arg3[%get3A_316, %get3A_317] : memref<1x8192xf32, #tpu.memory_space<vmem>>, vector<1x128xf32>
    %add3A_319 = vector.broadcast %broadcast_in_dim3A : vector<1152x1xf32> to vector<1152x128xf32>
    %add3A_320 = vector.broadcast %get3A_318 : vector<1x128xf32> to vector<1152x128xf32>
    %add3A_321 = arith.addf %add3A_319, %add3A_320 : vector<1152x128xf32>
    %get3A_322 = arith.constant 0 : index
    %get3A_323 = arith.constant 1664 : index
    %get3A_324 = vector.load %arg6[%get3A_322, %get3A_323] : memref<1152x8192xf32, #tpu.memory_space<vmem>>, vector<1152x128xf32>
    %sub3A_325 = arith.subf %add3A_321, %get3A_324 : vector<1152x128xf32>
    %lt3A_326 = arith.cmpf olt, %sub3A_325, %min3A_312 : vector<1152x128xf32>
    %min3A_327 = arith.minimumf %min3A_312, %sub3A_325 : vector<1152x128xf32>
    %jit3A_328 = arith.constant 13 : i32
    %broadcast_in_dim3A_329 = vector.broadcast %jit3A_328 : i32 to vector<1152x128xi32>
    %select_n3A_330 = arith.select %lt3A_326, %broadcast_in_dim3A_329, %select_n3A_315 : vector<1152x128xi1>, vector<1152x128xi32>
    %get3A_331 = arith.constant 0 : index
    %get3A_332 = arith.constant 1792 : index
    %get3A_333 = vector.load %arg3[%get3A_331, %get3A_332] : memref<1x8192xf32, #tpu.memory_space<vmem>>, vector<1x128xf32>
    %add3A_334 = vector.broadcast %broadcast_in_dim3A : vector<1152x1xf32> to vector<1152x128xf32>
    %add3A_335 = vector.broadcast %get3A_333 : vector<1x128xf32> to vector<1152x128xf32>
    %add3A_336 = arith.addf %add3A_334, %add3A_335 : vector<1152x128xf32>
    %get3A_337 = arith.constant 0 : index
    %get3A_338 = arith.constant 1792 : index
    %get3A_339 = vector.load %arg6[%get3A_337, %get3A_338] : memref<1152x8192xf32, #tpu.memory_space<vmem>>, vector<1152x128xf32>
    %sub3A_340 = arith.subf %add3A_336, %get3A_339 : vector<1152x128xf32>
    %lt3A_341 = arith.cmpf olt, %sub3A_340, %min3A_327 : vector<1152x128xf32>
    %min3A_342 = arith.minimumf %min3A_327, %sub3A_340 : vector<1152x128xf32>
    %jit3A_343 = arith.constant 14 : i32
    %broadcast_in_dim3A_344 = vector.broadcast %jit3A_343 : i32 to vector<1152x128xi32>
    %select_n3A_345 = arith.select %lt3A_341, %broadcast_in_dim3A_344, %select_n3A_330 : vector<1152x128xi1>, vector<1152x128xi32>
    %get3A_346 = arith.constant 0 : index
    %get3A_347 = arith.constant 1920 : index
    %get3A_348 = vector.load %arg3[%get3A_346, %get3A_347] : memref<1x8192xf32, #tpu.memory_space<vmem>>, vector<1x128xf32>
    %add3A_349 = vector.broadcast %broadcast_in_dim3A : vector<1152x1xf32> to vector<1152x128xf32>
    %add3A_350 = vector.broadcast %get3A_348 : vector<1x128xf32> to vector<1152x128xf32>
    %add3A_351 = arith.addf %add3A_349, %add3A_350 : vector<1152x128xf32>
    %get3A_352 = arith.constant 0 : index
    %get3A_353 = arith.constant 1920 : index
    %get3A_354 = vector.load %arg6[%get3A_352, %get3A_353] : memref<1152x8192xf32, #tpu.memory_space<vmem>>, vector<1152x128xf32>
    %sub3A_355 = arith.subf %add3A_351, %get3A_354 : vector<1152x128xf32>
    %lt3A_356 = arith.cmpf olt, %sub3A_355, %min3A_342 : vector<1152x128xf32>
    %min3A_357 = arith.minimumf %min3A_342, %sub3A_355 : vector<1152x128xf32>
    %jit3A_358 = arith.constant 15 : i32
    %broadcast_in_dim3A_359 = vector.broadcast %jit3A_358 : i32 to vector<1152x128xi32>
    %select_n3A_360 = arith.select %lt3A_356, %broadcast_in_dim3A_359, %select_n3A_345 : vector<1152x128xi1>, vector<1152x128xi32>
    %get3A_361 = arith.constant 0 : index
    %get3A_362 = arith.constant 2048 : index
    %get3A_363 = vector.load %arg3[%get3A_361, %get3A_362] : memref<1x8192xf32, #tpu.memory_space<vmem>>, vector<1x128xf32>
    %add3A_364 = vector.broadcast %broadcast_in_dim3A : vector<1152x1xf32> to vector<1152x128xf32>
    %add3A_365 = vector.broadcast %get3A_363 : vector<1x128xf32> to vector<1152x128xf32>
    %add3A_366 = arith.addf %add3A_364, %add3A_365 : vector<1152x128xf32>
    %get3A_367 = arith.constant 0 : index
    %get3A_368 = arith.constant 2048 : index
    %get3A_369 = vector.load %arg6[%get3A_367, %get3A_368] : memref<1152x8192xf32, #tpu.memory_space<vmem>>, vector<1152x128xf32>
    %sub3A_370 = arith.subf %add3A_366, %get3A_369 : vector<1152x128xf32>
    %lt3A_371 = arith.cmpf olt, %sub3A_370, %min3A_357 : vector<1152x128xf32>
    %min3A_372 = arith.minimumf %min3A_357, %sub3A_370 : vector<1152x128xf32>
    %jit3A_373 = arith.constant 16 : i32
    %broadcast_in_dim3A_374 = vector.broadcast %jit3A_373 : i32 to vector<1152x128xi32>
    %select_n3A_375 = arith.select %lt3A_371, %broadcast_in_dim3A_374, %select_n3A_360 : vector<1152x128xi1>, vector<1152x128xi32>
    %get3A_376 = arith.constant 0 : index
    %get3A_377 = arith.constant 2176 : index
    %get3A_378 = vector.load %arg3[%get3A_376, %get3A_377] : memref<1x8192xf32, #tpu.memory_space<vmem>>, vector<1x128xf32>
    %add3A_379 = vector.broadcast %broadcast_in_dim3A : vector<1152x1xf32> to vector<1152x128xf32>
    %add3A_380 = vector.broadcast %get3A_378 : vector<1x128xf32> to vector<1152x128xf32>
    %add3A_381 = arith.addf %add3A_379, %add3A_380 : vector<1152x128xf32>
    %get3A_382 = arith.constant 0 : index
    %get3A_383 = arith.constant 2176 : index
    %get3A_384 = vector.load %arg6[%get3A_382, %get3A_383] : memref<1152x8192xf32, #tpu.memory_space<vmem>>, vector<1152x128xf32>
    %sub3A_385 = arith.subf %add3A_381, %get3A_384 : vector<1152x128xf32>
    %lt3A_386 = arith.cmpf olt, %sub3A_385, %min3A_372 : vector<1152x128xf32>
    %min3A_387 = arith.minimumf %min3A_372, %sub3A_385 : vector<1152x128xf32>
    %jit3A_388 = arith.constant 17 : i32
    %broadcast_in_dim3A_389 = vector.broadcast %jit3A_388 : i32 to vector<1152x128xi32>
    %select_n3A_390 = arith.select %lt3A_386, %broadcast_in_dim3A_389, %select_n3A_375 : vector<1152x128xi1>, vector<1152x128xi32>
    %get3A_391 = arith.constant 0 : index
    %get3A_392 = arith.constant 2304 : index
    %get3A_393 = vector.load %arg3[%get3A_391, %get3A_392] : memref<1x8192xf32, #tpu.memory_space<vmem>>, vector<1x128xf32>
    %add3A_394 = vector.broadcast %broadcast_in_dim3A : vector<1152x1xf32> to vector<1152x128xf32>
    %add3A_395 = vector.broadcast %get3A_393 : vector<1x128xf32> to vector<1152x128xf32>
    %add3A_396 = arith.addf %add3A_394, %add3A_395 : vector<1152x128xf32>
    %get3A_397 = arith.constant 0 : index
    %get3A_398 = arith.constant 2304 : index
    %get3A_399 = vector.load %arg6[%get3A_397, %get3A_398] : memref<1152x8192xf32, #tpu.memory_space<vmem>>, vector<1152x128xf32>
    %sub3A_400 = arith.subf %add3A_396, %get3A_399 : vector<1152x128xf32>
    %lt3A_401 = arith.cmpf olt, %sub3A_400, %min3A_387 : vector<1152x128xf32>
    %min3A_402 = arith.minimumf %min3A_387, %sub3A_400 : vector<1152x128xf32>
    %jit3A_403 = arith.constant 18 : i32
    %broadcast_in_dim3A_404 = vector.broadcast %jit3A_403 : i32 to vector<1152x128xi32>
    %select_n3A_405 = arith.select %lt3A_401, %broadcast_in_dim3A_404, %select_n3A_390 : vector<1152x128xi1>, vector<1152x128xi32>
    %get3A_406 = arith.constant 0 : index
    %get3A_407 = arith.constant 2432 : index
    %get3A_408 = vector.load %arg3[%get3A_406, %get3A_407] : memref<1x8192xf32, #tpu.memory_space<vmem>>, vector<1x128xf32>
    %add3A_409 = vector.broadcast %broadcast_in_dim3A : vector<1152x1xf32> to vector<1152x128xf32>
    %add3A_410 = vector.broadcast %get3A_408 : vector<1x128xf32> to vector<1152x128xf32>
    %add3A_411 = arith.addf %add3A_409, %add3A_410 : vector<1152x128xf32>
    %get3A_412 = arith.constant 0 : index
    %get3A_413 = arith.constant 2432 : index
    %get3A_414 = vector.load %arg6[%get3A_412, %get3A_413] : memref<1152x8192xf32, #tpu.memory_space<vmem>>, vector<1152x128xf32>
    %sub3A_415 = arith.subf %add3A_411, %get3A_414 : vector<1152x128xf32>
    %lt3A_416 = arith.cmpf olt, %sub3A_415, %min3A_402 : vector<1152x128xf32>
    %min3A_417 = arith.minimumf %min3A_402, %sub3A_415 : vector<1152x128xf32>
    %jit3A_418 = arith.constant 19 : i32
    %broadcast_in_dim3A_419 = vector.broadcast %jit3A_418 : i32 to vector<1152x128xi32>
    %select_n3A_420 = arith.select %lt3A_416, %broadcast_in_dim3A_419, %select_n3A_405 : vector<1152x128xi1>, vector<1152x128xi32>
    %get3A_421 = arith.constant 0 : index
    %get3A_422 = arith.constant 2560 : index
    %get3A_423 = vector.load %arg3[%get3A_421, %get3A_422] : memref<1x8192xf32, #tpu.memory_space<vmem>>, vector<1x128xf32>
    %add3A_424 = vector.broadcast %broadcast_in_dim3A : vector<1152x1xf32> to vector<1152x128xf32>
    %add3A_425 = vector.broadcast %get3A_423 : vector<1x128xf32> to vector<1152x128xf32>
    %add3A_426 = arith.addf %add3A_424, %add3A_425 : vector<1152x128xf32>
    %get3A_427 = arith.constant 0 : index
    %get3A_428 = arith.constant 2560 : index
    %get3A_429 = vector.load %arg6[%get3A_427, %get3A_428] : memref<1152x8192xf32, #tpu.memory_space<vmem>>, vector<1152x128xf32>
    %sub3A_430 = arith.subf %add3A_426, %get3A_429 : vector<1152x128xf32>
    %lt3A_431 = arith.cmpf olt, %sub3A_430, %min3A_417 : vector<1152x128xf32>
    %min3A_432 = arith.minimumf %min3A_417, %sub3A_430 : vector<1152x128xf32>
    %jit3A_433 = arith.constant 20 : i32
    %broadcast_in_dim3A_434 = vector.broadcast %jit3A_433 : i32 to vector<1152x128xi32>
    %select_n3A_435 = arith.select %lt3A_431, %broadcast_in_dim3A_434, %select_n3A_420 : vector<1152x128xi1>, vector<1152x128xi32>
    %get3A_436 = arith.constant 0 : index
    %get3A_437 = arith.constant 2688 : index
    %get3A_438 = vector.load %arg3[%get3A_436, %get3A_437] : memref<1x8192xf32, #tpu.memory_space<vmem>>, vector<1x128xf32>
    %add3A_439 = vector.broadcast %broadcast_in_dim3A : vector<1152x1xf32> to vector<1152x128xf32>
    %add3A_440 = vector.broadcast %get3A_438 : vector<1x128xf32> to vector<1152x128xf32>
    %add3A_441 = arith.addf %add3A_439, %add3A_440 : vector<1152x128xf32>
    %get3A_442 = arith.constant 0 : index
    %get3A_443 = arith.constant 2688 : index
    %get3A_444 = vector.load %arg6[%get3A_442, %get3A_443] : memref<1152x8192xf32, #tpu.memory_space<vmem>>, vector<1152x128xf32>
    %sub3A_445 = arith.subf %add3A_441, %get3A_444 : vector<1152x128xf32>
    %lt3A_446 = arith.cmpf olt, %sub3A_445, %min3A_432 : vector<1152x128xf32>
    %min3A_447 = arith.minimumf %min3A_432, %sub3A_445 : vector<1152x128xf32>
    %jit3A_448 = arith.constant 21 : i32
    %broadcast_in_dim3A_449 = vector.broadcast %jit3A_448 : i32 to vector<1152x128xi32>
    %select_n3A_450 = arith.select %lt3A_446, %broadcast_in_dim3A_449, %select_n3A_435 : vector<1152x128xi1>, vector<1152x128xi32>
    %get3A_451 = arith.constant 0 : index
    %get3A_452 = arith.constant 2816 : index
    %get3A_453 = vector.load %arg3[%get3A_451, %get3A_452] : memref<1x8192xf32, #tpu.memory_space<vmem>>, vector<1x128xf32>
    %add3A_454 = vector.broadcast %broadcast_in_dim3A : vector<1152x1xf32> to vector<1152x128xf32>
    %add3A_455 = vector.broadcast %get3A_453 : vector<1x128xf32> to vector<1152x128xf32>
    %add3A_456 = arith.addf %add3A_454, %add3A_455 : vector<1152x128xf32>
    %get3A_457 = arith.constant 0 : index
    %get3A_458 = arith.constant 2816 : index
    %get3A_459 = vector.load %arg6[%get3A_457, %get3A_458] : memref<1152x8192xf32, #tpu.memory_space<vmem>>, vector<1152x128xf32>
    %sub3A_460 = arith.subf %add3A_456, %get3A_459 : vector<1152x128xf32>
    %lt3A_461 = arith.cmpf olt, %sub3A_460, %min3A_447 : vector<1152x128xf32>
    %min3A_462 = arith.minimumf %min3A_447, %sub3A_460 : vector<1152x128xf32>
    %jit3A_463 = arith.constant 22 : i32
    %broadcast_in_dim3A_464 = vector.broadcast %jit3A_463 : i32 to vector<1152x128xi32>
    %select_n3A_465 = arith.select %lt3A_461, %broadcast_in_dim3A_464, %select_n3A_450 : vector<1152x128xi1>, vector<1152x128xi32>
    %get3A_466 = arith.constant 0 : index
    %get3A_467 = arith.constant 2944 : index
    %get3A_468 = vector.load %arg3[%get3A_466, %get3A_467] : memref<1x8192xf32, #tpu.memory_space<vmem>>, vector<1x128xf32>
    %add3A_469 = vector.broadcast %broadcast_in_dim3A : vector<1152x1xf32> to vector<1152x128xf32>
    %add3A_470 = vector.broadcast %get3A_468 : vector<1x128xf32> to vector<1152x128xf32>
    %add3A_471 = arith.addf %add3A_469, %add3A_470 : vector<1152x128xf32>
    %get3A_472 = arith.constant 0 : index
    %get3A_473 = arith.constant 2944 : index
    %get3A_474 = vector.load %arg6[%get3A_472, %get3A_473] : memref<1152x8192xf32, #tpu.memory_space<vmem>>, vector<1152x128xf32>
    %sub3A_475 = arith.subf %add3A_471, %get3A_474 : vector<1152x128xf32>
    %lt3A_476 = arith.cmpf olt, %sub3A_475, %min3A_462 : vector<1152x128xf32>
    %min3A_477 = arith.minimumf %min3A_462, %sub3A_475 : vector<1152x128xf32>
    %jit3A_478 = arith.constant 23 : i32
    %broadcast_in_dim3A_479 = vector.broadcast %jit3A_478 : i32 to vector<1152x128xi32>
    %select_n3A_480 = arith.select %lt3A_476, %broadcast_in_dim3A_479, %select_n3A_465 : vector<1152x128xi1>, vector<1152x128xi32>
    %get3A_481 = arith.constant 0 : index
    %get3A_482 = arith.constant 3072 : index
    %get3A_483 = vector.load %arg3[%get3A_481, %get3A_482] : memref<1x8192xf32, #tpu.memory_space<vmem>>, vector<1x128xf32>
    %add3A_484 = vector.broadcast %broadcast_in_dim3A : vector<1152x1xf32> to vector<1152x128xf32>
    %add3A_485 = vector.broadcast %get3A_483 : vector<1x128xf32> to vector<1152x128xf32>
    %add3A_486 = arith.addf %add3A_484, %add3A_485 : vector<1152x128xf32>
    %get3A_487 = arith.constant 0 : index
    %get3A_488 = arith.constant 3072 : index
    %get3A_489 = vector.load %arg6[%get3A_487, %get3A_488] : memref<1152x8192xf32, #tpu.memory_space<vmem>>, vector<1152x128xf32>
    %sub3A_490 = arith.subf %add3A_486, %get3A_489 : vector<1152x128xf32>
    %lt3A_491 = arith.cmpf olt, %sub3A_490, %min3A_477 : vector<1152x128xf32>
    %min3A_492 = arith.minimumf %min3A_477, %sub3A_490 : vector<1152x128xf32>
    %jit3A_493 = arith.constant 24 : i32
    %broadcast_in_dim3A_494 = vector.broadcast %jit3A_493 : i32 to vector<1152x128xi32>
    %select_n3A_495 = arith.select %lt3A_491, %broadcast_in_dim3A_494, %select_n3A_480 : vector<1152x128xi1>, vector<1152x128xi32>
    %get3A_496 = arith.constant 0 : index
    %get3A_497 = arith.constant 3200 : index
    %get3A_498 = vector.load %arg3[%get3A_496, %get3A_497] : memref<1x8192xf32, #tpu.memory_space<vmem>>, vector<1x128xf32>
    %add3A_499 = vector.broadcast %broadcast_in_dim3A : vector<1152x1xf32> to vector<1152x128xf32>
    %add3A_500 = vector.broadcast %get3A_498 : vector<1x128xf32> to vector<1152x128xf32>
    %add3A_501 = arith.addf %add3A_499, %add3A_500 : vector<1152x128xf32>
    %get3A_502 = arith.constant 0 : index
    %get3A_503 = arith.constant 3200 : index
    %get3A_504 = vector.load %arg6[%get3A_502, %get3A_503] : memref<1152x8192xf32, #tpu.memory_space<vmem>>, vector<1152x128xf32>
    %sub3A_505 = arith.subf %add3A_501, %get3A_504 : vector<1152x128xf32>
    %lt3A_506 = arith.cmpf olt, %sub3A_505, %min3A_492 : vector<1152x128xf32>
    %min3A_507 = arith.minimumf %min3A_492, %sub3A_505 : vector<1152x128xf32>
    %jit3A_508 = arith.constant 25 : i32
    %broadcast_in_dim3A_509 = vector.broadcast %jit3A_508 : i32 to vector<1152x128xi32>
    %select_n3A_510 = arith.select %lt3A_506, %broadcast_in_dim3A_509, %select_n3A_495 : vector<1152x128xi1>, vector<1152x128xi32>
    %get3A_511 = arith.constant 0 : index
    %get3A_512 = arith.constant 3328 : index
    %get3A_513 = vector.load %arg3[%get3A_511, %get3A_512] : memref<1x8192xf32, #tpu.memory_space<vmem>>, vector<1x128xf32>
    %add3A_514 = vector.broadcast %broadcast_in_dim3A : vector<1152x1xf32> to vector<1152x128xf32>
    %add3A_515 = vector.broadcast %get3A_513 : vector<1x128xf32> to vector<1152x128xf32>
    %add3A_516 = arith.addf %add3A_514, %add3A_515 : vector<1152x128xf32>
    %get3A_517 = arith.constant 0 : index
    %get3A_518 = arith.constant 3328 : index
    %get3A_519 = vector.load %arg6[%get3A_517, %get3A_518] : memref<1152x8192xf32, #tpu.memory_space<vmem>>, vector<1152x128xf32>
    %sub3A_520 = arith.subf %add3A_516, %get3A_519 : vector<1152x128xf32>
    %lt3A_521 = arith.cmpf olt, %sub3A_520, %min3A_507 : vector<1152x128xf32>
    %min3A_522 = arith.minimumf %min3A_507, %sub3A_520 : vector<1152x128xf32>
    %jit3A_523 = arith.constant 26 : i32
    %broadcast_in_dim3A_524 = vector.broadcast %jit3A_523 : i32 to vector<1152x128xi32>
    %select_n3A_525 = arith.select %lt3A_521, %broadcast_in_dim3A_524, %select_n3A_510 : vector<1152x128xi1>, vector<1152x128xi32>
    %get3A_526 = arith.constant 0 : index
    %get3A_527 = arith.constant 3456 : index
    %get3A_528 = vector.load %arg3[%get3A_526, %get3A_527] : memref<1x8192xf32, #tpu.memory_space<vmem>>, vector<1x128xf32>
    %add3A_529 = vector.broadcast %broadcast_in_dim3A : vector<1152x1xf32> to vector<1152x128xf32>
    %add3A_530 = vector.broadcast %get3A_528 : vector<1x128xf32> to vector<1152x128xf32>
    %add3A_531 = arith.addf %add3A_529, %add3A_530 : vector<1152x128xf32>
    %get3A_532 = arith.constant 0 : index
    %get3A_533 = arith.constant 3456 : index
    %get3A_534 = vector.load %arg6[%get3A_532, %get3A_533] : memref<1152x8192xf32, #tpu.memory_space<vmem>>, vector<1152x128xf32>
    %sub3A_535 = arith.subf %add3A_531, %get3A_534 : vector<1152x128xf32>
    %lt3A_536 = arith.cmpf olt, %sub3A_535, %min3A_522 : vector<1152x128xf32>
    %min3A_537 = arith.minimumf %min3A_522, %sub3A_535 : vector<1152x128xf32>
    %jit3A_538 = arith.constant 27 : i32
    %broadcast_in_dim3A_539 = vector.broadcast %jit3A_538 : i32 to vector<1152x128xi32>
    %select_n3A_540 = arith.select %lt3A_536, %broadcast_in_dim3A_539, %select_n3A_525 : vector<1152x128xi1>, vector<1152x128xi32>
    %get3A_541 = arith.constant 0 : index
    %get3A_542 = arith.constant 3584 : index
    %get3A_543 = vector.load %arg3[%get3A_541, %get3A_542] : memref<1x8192xf32, #tpu.memory_space<vmem>>, vector<1x128xf32>
    %add3A_544 = vector.broadcast %broadcast_in_dim3A : vector<1152x1xf32> to vector<1152x128xf32>
    %add3A_545 = vector.broadcast %get3A_543 : vector<1x128xf32> to vector<1152x128xf32>
    %add3A_546 = arith.addf %add3A_544, %add3A_545 : vector<1152x128xf32>
    %get3A_547 = arith.constant 0 : index
    %get3A_548 = arith.constant 3584 : index
    %get3A_549 = vector.load %arg6[%get3A_547, %get3A_548] : memref<1152x8192xf32, #tpu.memory_space<vmem>>, vector<1152x128xf32>
    %sub3A_550 = arith.subf %add3A_546, %get3A_549 : vector<1152x128xf32>
    %lt3A_551 = arith.cmpf olt, %sub3A_550, %min3A_537 : vector<1152x128xf32>
    %min3A_552 = arith.minimumf %min3A_537, %sub3A_550 : vector<1152x128xf32>
    %jit3A_553 = arith.constant 28 : i32
    %broadcast_in_dim3A_554 = vector.broadcast %jit3A_553 : i32 to vector<1152x128xi32>
    %select_n3A_555 = arith.select %lt3A_551, %broadcast_in_dim3A_554, %select_n3A_540 : vector<1152x128xi1>, vector<1152x128xi32>
    %get3A_556 = arith.constant 0 : index
    %get3A_557 = arith.constant 3712 : index
    %get3A_558 = vector.load %arg3[%get3A_556, %get3A_557] : memref<1x8192xf32, #tpu.memory_space<vmem>>, vector<1x128xf32>
    %add3A_559 = vector.broadcast %broadcast_in_dim3A : vector<1152x1xf32> to vector<1152x128xf32>
    %add3A_560 = vector.broadcast %get3A_558 : vector<1x128xf32> to vector<1152x128xf32>
    %add3A_561 = arith.addf %add3A_559, %add3A_560 : vector<1152x128xf32>
    %get3A_562 = arith.constant 0 : index
    %get3A_563 = arith.constant 3712 : index
    %get3A_564 = vector.load %arg6[%get3A_562, %get3A_563] : memref<1152x8192xf32, #tpu.memory_space<vmem>>, vector<1152x128xf32>
    %sub3A_565 = arith.subf %add3A_561, %get3A_564 : vector<1152x128xf32>
    %lt3A_566 = arith.cmpf olt, %sub3A_565, %min3A_552 : vector<1152x128xf32>
    %min3A_567 = arith.minimumf %min3A_552, %sub3A_565 : vector<1152x128xf32>
    %jit3A_568 = arith.constant 29 : i32
    %broadcast_in_dim3A_569 = vector.broadcast %jit3A_568 : i32 to vector<1152x128xi32>
    %select_n3A_570 = arith.select %lt3A_566, %broadcast_in_dim3A_569, %select_n3A_555 : vector<1152x128xi1>, vector<1152x128xi32>
    %get3A_571 = arith.constant 0 : index
    %get3A_572 = arith.constant 3840 : index
    %get3A_573 = vector.load %arg3[%get3A_571, %get3A_572] : memref<1x8192xf32, #tpu.memory_space<vmem>>, vector<1x128xf32>
    %add3A_574 = vector.broadcast %broadcast_in_dim3A : vector<1152x1xf32> to vector<1152x128xf32>
    %add3A_575 = vector.broadcast %get3A_573 : vector<1x128xf32> to vector<1152x128xf32>
    %add3A_576 = arith.addf %add3A_574, %add3A_575 : vector<1152x128xf32>
    %get3A_577 = arith.constant 0 : index
    %get3A_578 = arith.constant 3840 : index
    %get3A_579 = vector.load %arg6[%get3A_577, %get3A_578] : memref<1152x8192xf32, #tpu.memory_space<vmem>>, vector<1152x128xf32>
    %sub3A_580 = arith.subf %add3A_576, %get3A_579 : vector<1152x128xf32>
    %lt3A_581 = arith.cmpf olt, %sub3A_580, %min3A_567 : vector<1152x128xf32>
    %min3A_582 = arith.minimumf %min3A_567, %sub3A_580 : vector<1152x128xf32>
    %jit3A_583 = arith.constant 30 : i32
    %broadcast_in_dim3A_584 = vector.broadcast %jit3A_583 : i32 to vector<1152x128xi32>
    %select_n3A_585 = arith.select %lt3A_581, %broadcast_in_dim3A_584, %select_n3A_570 : vector<1152x128xi1>, vector<1152x128xi32>
    %get3A_586 = arith.constant 0 : index
    %get3A_587 = arith.constant 3968 : index
    %get3A_588 = vector.load %arg3[%get3A_586, %get3A_587] : memref<1x8192xf32, #tpu.memory_space<vmem>>, vector<1x128xf32>
    %add3A_589 = vector.broadcast %broadcast_in_dim3A : vector<1152x1xf32> to vector<1152x128xf32>
    %add3A_590 = vector.broadcast %get3A_588 : vector<1x128xf32> to vector<1152x128xf32>
    %add3A_591 = arith.addf %add3A_589, %add3A_590 : vector<1152x128xf32>
    %get3A_592 = arith.constant 0 : index
    %get3A_593 = arith.constant 3968 : index
    %get3A_594 = vector.load %arg6[%get3A_592, %get3A_593] : memref<1152x8192xf32, #tpu.memory_space<vmem>>, vector<1152x128xf32>
    %sub3A_595 = arith.subf %add3A_591, %get3A_594 : vector<1152x128xf32>
    %lt3A_596 = arith.cmpf olt, %sub3A_595, %min3A_582 : vector<1152x128xf32>
    %min3A_597 = arith.minimumf %min3A_582, %sub3A_595 : vector<1152x128xf32>
    %jit3A_598 = arith.constant 31 : i32
    %broadcast_in_dim3A_599 = vector.broadcast %jit3A_598 : i32 to vector<1152x128xi32>
    %select_n3A_600 = arith.select %lt3A_596, %broadcast_in_dim3A_599, %select_n3A_585 : vector<1152x128xi1>, vector<1152x128xi32>
    %get3A_601 = arith.constant 0 : index
    %get3A_602 = arith.constant 4096 : index
    %get3A_603 = vector.load %arg3[%get3A_601, %get3A_602] : memref<1x8192xf32, #tpu.memory_space<vmem>>, vector<1x128xf32>
    %add3A_604 = vector.broadcast %broadcast_in_dim3A : vector<1152x1xf32> to vector<1152x128xf32>
    %add3A_605 = vector.broadcast %get3A_603 : vector<1x128xf32> to vector<1152x128xf32>
    %add3A_606 = arith.addf %add3A_604, %add3A_605 : vector<1152x128xf32>
    %get3A_607 = arith.constant 0 : index
    %get3A_608 = arith.constant 4096 : index
    %get3A_609 = vector.load %arg6[%get3A_607, %get3A_608] : memref<1152x8192xf32, #tpu.memory_space<vmem>>, vector<1152x128xf32>
    %sub3A_610 = arith.subf %add3A_606, %get3A_609 : vector<1152x128xf32>
    %lt3A_611 = arith.cmpf olt, %sub3A_610, %min3A_597 : vector<1152x128xf32>
    %min3A_612 = arith.minimumf %min3A_597, %sub3A_610 : vector<1152x128xf32>
    %jit3A_613 = arith.constant 32 : i32
    %broadcast_in_dim3A_614 = vector.broadcast %jit3A_613 : i32 to vector<1152x128xi32>
    %select_n3A_615 = arith.select %lt3A_611, %broadcast_in_dim3A_614, %select_n3A_600 : vector<1152x128xi1>, vector<1152x128xi32>
    %get3A_616 = arith.constant 0 : index
    %get3A_617 = arith.constant 4224 : index
    %get3A_618 = vector.load %arg3[%get3A_616, %get3A_617] : memref<1x8192xf32, #tpu.memory_space<vmem>>, vector<1x128xf32>
    %add3A_619 = vector.broadcast %broadcast_in_dim3A : vector<1152x1xf32> to vector<1152x128xf32>
    %add3A_620 = vector.broadcast %get3A_618 : vector<1x128xf32> to vector<1152x128xf32>
    %add3A_621 = arith.addf %add3A_619, %add3A_620 : vector<1152x128xf32>
    %get3A_622 = arith.constant 0 : index
    %get3A_623 = arith.constant 4224 : index
    %get3A_624 = vector.load %arg6[%get3A_622, %get3A_623] : memref<1152x8192xf32, #tpu.memory_space<vmem>>, vector<1152x128xf32>
    %sub3A_625 = arith.subf %add3A_621, %get3A_624 : vector<1152x128xf32>
    %lt3A_626 = arith.cmpf olt, %sub3A_625, %min3A_612 : vector<1152x128xf32>
    %min3A_627 = arith.minimumf %min3A_612, %sub3A_625 : vector<1152x128xf32>
    %jit3A_628 = arith.constant 33 : i32
    %broadcast_in_dim3A_629 = vector.broadcast %jit3A_628 : i32 to vector<1152x128xi32>
    %select_n3A_630 = arith.select %lt3A_626, %broadcast_in_dim3A_629, %select_n3A_615 : vector<1152x128xi1>, vector<1152x128xi32>
    %get3A_631 = arith.constant 0 : index
    %get3A_632 = arith.constant 4352 : index
    %get3A_633 = vector.load %arg3[%get3A_631, %get3A_632] : memref<1x8192xf32, #tpu.memory_space<vmem>>, vector<1x128xf32>
    %add3A_634 = vector.broadcast %broadcast_in_dim3A : vector<1152x1xf32> to vector<1152x128xf32>
    %add3A_635 = vector.broadcast %get3A_633 : vector<1x128xf32> to vector<1152x128xf32>
    %add3A_636 = arith.addf %add3A_634, %add3A_635 : vector<1152x128xf32>
    %get3A_637 = arith.constant 0 : index
    %get3A_638 = arith.constant 4352 : index
    %get3A_639 = vector.load %arg6[%get3A_637, %get3A_638] : memref<1152x8192xf32, #tpu.memory_space<vmem>>, vector<1152x128xf32>
    %sub3A_640 = arith.subf %add3A_636, %get3A_639 : vector<1152x128xf32>
    %lt3A_641 = arith.cmpf olt, %sub3A_640, %min3A_627 : vector<1152x128xf32>
    %min3A_642 = arith.minimumf %min3A_627, %sub3A_640 : vector<1152x128xf32>
    %jit3A_643 = arith.constant 34 : i32
    %broadcast_in_dim3A_644 = vector.broadcast %jit3A_643 : i32 to vector<1152x128xi32>
    %select_n3A_645 = arith.select %lt3A_641, %broadcast_in_dim3A_644, %select_n3A_630 : vector<1152x128xi1>, vector<1152x128xi32>
    %get3A_646 = arith.constant 0 : index
    %get3A_647 = arith.constant 4480 : index
    %get3A_648 = vector.load %arg3[%get3A_646, %get3A_647] : memref<1x8192xf32, #tpu.memory_space<vmem>>, vector<1x128xf32>
    %add3A_649 = vector.broadcast %broadcast_in_dim3A : vector<1152x1xf32> to vector<1152x128xf32>
    %add3A_650 = vector.broadcast %get3A_648 : vector<1x128xf32> to vector<1152x128xf32>
    %add3A_651 = arith.addf %add3A_649, %add3A_650 : vector<1152x128xf32>
    %get3A_652 = arith.constant 0 : index
    %get3A_653 = arith.constant 4480 : index
    %get3A_654 = vector.load %arg6[%get3A_652, %get3A_653] : memref<1152x8192xf32, #tpu.memory_space<vmem>>, vector<1152x128xf32>
    %sub3A_655 = arith.subf %add3A_651, %get3A_654 : vector<1152x128xf32>
    %lt3A_656 = arith.cmpf olt, %sub3A_655, %min3A_642 : vector<1152x128xf32>
    %min3A_657 = arith.minimumf %min3A_642, %sub3A_655 : vector<1152x128xf32>
    %jit3A_658 = arith.constant 35 : i32
    %broadcast_in_dim3A_659 = vector.broadcast %jit3A_658 : i32 to vector<1152x128xi32>
    %select_n3A_660 = arith.select %lt3A_656, %broadcast_in_dim3A_659, %select_n3A_645 : vector<1152x128xi1>, vector<1152x128xi32>
    %get3A_661 = arith.constant 0 : index
    %get3A_662 = arith.constant 4608 : index
    %get3A_663 = vector.load %arg3[%get3A_661, %get3A_662] : memref<1x8192xf32, #tpu.memory_space<vmem>>, vector<1x128xf32>
    %add3A_664 = vector.broadcast %broadcast_in_dim3A : vector<1152x1xf32> to vector<1152x128xf32>
    %add3A_665 = vector.broadcast %get3A_663 : vector<1x128xf32> to vector<1152x128xf32>
    %add3A_666 = arith.addf %add3A_664, %add3A_665 : vector<1152x128xf32>
    %get3A_667 = arith.constant 0 : index
    %get3A_668 = arith.constant 4608 : index
    %get3A_669 = vector.load %arg6[%get3A_667, %get3A_668] : memref<1152x8192xf32, #tpu.memory_space<vmem>>, vector<1152x128xf32>
    %sub3A_670 = arith.subf %add3A_666, %get3A_669 : vector<1152x128xf32>
    %lt3A_671 = arith.cmpf olt, %sub3A_670, %min3A_657 : vector<1152x128xf32>
    %min3A_672 = arith.minimumf %min3A_657, %sub3A_670 : vector<1152x128xf32>
    %jit3A_673 = arith.constant 36 : i32
    %broadcast_in_dim3A_674 = vector.broadcast %jit3A_673 : i32 to vector<1152x128xi32>
    %select_n3A_675 = arith.select %lt3A_671, %broadcast_in_dim3A_674, %select_n3A_660 : vector<1152x128xi1>, vector<1152x128xi32>
    %get3A_676 = arith.constant 0 : index
    %get3A_677 = arith.constant 4736 : index
    %get3A_678 = vector.load %arg3[%get3A_676, %get3A_677] : memref<1x8192xf32, #tpu.memory_space<vmem>>, vector<1x128xf32>
    %add3A_679 = vector.broadcast %broadcast_in_dim3A : vector<1152x1xf32> to vector<1152x128xf32>
    %add3A_680 = vector.broadcast %get3A_678 : vector<1x128xf32> to vector<1152x128xf32>
    %add3A_681 = arith.addf %add3A_679, %add3A_680 : vector<1152x128xf32>
    %get3A_682 = arith.constant 0 : index
    %get3A_683 = arith.constant 4736 : index
    %get3A_684 = vector.load %arg6[%get3A_682, %get3A_683] : memref<1152x8192xf32, #tpu.memory_space<vmem>>, vector<1152x128xf32>
    %sub3A_685 = arith.subf %add3A_681, %get3A_684 : vector<1152x128xf32>
    %lt3A_686 = arith.cmpf olt, %sub3A_685, %min3A_672 : vector<1152x128xf32>
    %min3A_687 = arith.minimumf %min3A_672, %sub3A_685 : vector<1152x128xf32>
    %jit3A_688 = arith.constant 37 : i32
    %broadcast_in_dim3A_689 = vector.broadcast %jit3A_688 : i32 to vector<1152x128xi32>
    %select_n3A_690 = arith.select %lt3A_686, %broadcast_in_dim3A_689, %select_n3A_675 : vector<1152x128xi1>, vector<1152x128xi32>
    %get3A_691 = arith.constant 0 : index
    %get3A_692 = arith.constant 4864 : index
    %get3A_693 = vector.load %arg3[%get3A_691, %get3A_692] : memref<1x8192xf32, #tpu.memory_space<vmem>>, vector<1x128xf32>
    %add3A_694 = vector.broadcast %broadcast_in_dim3A : vector<1152x1xf32> to vector<1152x128xf32>
    %add3A_695 = vector.broadcast %get3A_693 : vector<1x128xf32> to vector<1152x128xf32>
    %add3A_696 = arith.addf %add3A_694, %add3A_695 : vector<1152x128xf32>
    %get3A_697 = arith.constant 0 : index
    %get3A_698 = arith.constant 4864 : index
    %get3A_699 = vector.load %arg6[%get3A_697, %get3A_698] : memref<1152x8192xf32, #tpu.memory_space<vmem>>, vector<1152x128xf32>
    %sub3A_700 = arith.subf %add3A_696, %get3A_699 : vector<1152x128xf32>
    %lt3A_701 = arith.cmpf olt, %sub3A_700, %min3A_687 : vector<1152x128xf32>
    %min3A_702 = arith.minimumf %min3A_687, %sub3A_700 : vector<1152x128xf32>
    %jit3A_703 = arith.constant 38 : i32
    %broadcast_in_dim3A_704 = vector.broadcast %jit3A_703 : i32 to vector<1152x128xi32>
    %select_n3A_705 = arith.select %lt3A_701, %broadcast_in_dim3A_704, %select_n3A_690 : vector<1152x128xi1>, vector<1152x128xi32>
    %get3A_706 = arith.constant 0 : index
    %get3A_707 = arith.constant 4992 : index
    %get3A_708 = vector.load %arg3[%get3A_706, %get3A_707] : memref<1x8192xf32, #tpu.memory_space<vmem>>, vector<1x128xf32>
    %add3A_709 = vector.broadcast %broadcast_in_dim3A : vector<1152x1xf32> to vector<1152x128xf32>
    %add3A_710 = vector.broadcast %get3A_708 : vector<1x128xf32> to vector<1152x128xf32>
    %add3A_711 = arith.addf %add3A_709, %add3A_710 : vector<1152x128xf32>
    %get3A_712 = arith.constant 0 : index
    %get3A_713 = arith.constant 4992 : index
    %get3A_714 = vector.load %arg6[%get3A_712, %get3A_713] : memref<1152x8192xf32, #tpu.memory_space<vmem>>, vector<1152x128xf32>
    %sub3A_715 = arith.subf %add3A_711, %get3A_714 : vector<1152x128xf32>
    %lt3A_716 = arith.cmpf olt, %sub3A_715, %min3A_702 : vector<1152x128xf32>
    %min3A_717 = arith.minimumf %min3A_702, %sub3A_715 : vector<1152x128xf32>
    %jit3A_718 = arith.constant 39 : i32
    %broadcast_in_dim3A_719 = vector.broadcast %jit3A_718 : i32 to vector<1152x128xi32>
    %select_n3A_720 = arith.select %lt3A_716, %broadcast_in_dim3A_719, %select_n3A_705 : vector<1152x128xi1>, vector<1152x128xi32>
    %get3A_721 = arith.constant 0 : index
    %get3A_722 = arith.constant 5120 : index
    %get3A_723 = vector.load %arg3[%get3A_721, %get3A_722] : memref<1x8192xf32, #tpu.memory_space<vmem>>, vector<1x128xf32>
    %add3A_724 = vector.broadcast %broadcast_in_dim3A : vector<1152x1xf32> to vector<1152x128xf32>
    %add3A_725 = vector.broadcast %get3A_723 : vector<1x128xf32> to vector<1152x128xf32>
    %add3A_726 = arith.addf %add3A_724, %add3A_725 : vector<1152x128xf32>
    %get3A_727 = arith.constant 0 : index
    %get3A_728 = arith.constant 5120 : index
    %get3A_729 = vector.load %arg6[%get3A_727, %get3A_728] : memref<1152x8192xf32, #tpu.memory_space<vmem>>, vector<1152x128xf32>
    %sub3A_730 = arith.subf %add3A_726, %get3A_729 : vector<1152x128xf32>
    %lt3A_731 = arith.cmpf olt, %sub3A_730, %min3A_717 : vector<1152x128xf32>
    %min3A_732 = arith.minimumf %min3A_717, %sub3A_730 : vector<1152x128xf32>
    %jit3A_733 = arith.constant 40 : i32
    %broadcast_in_dim3A_734 = vector.broadcast %jit3A_733 : i32 to vector<1152x128xi32>
    %select_n3A_735 = arith.select %lt3A_731, %broadcast_in_dim3A_734, %select_n3A_720 : vector<1152x128xi1>, vector<1152x128xi32>
    %get3A_736 = arith.constant 0 : index
    %get3A_737 = arith.constant 5248 : index
    %get3A_738 = vector.load %arg3[%get3A_736, %get3A_737] : memref<1x8192xf32, #tpu.memory_space<vmem>>, vector<1x128xf32>
    %add3A_739 = vector.broadcast %broadcast_in_dim3A : vector<1152x1xf32> to vector<1152x128xf32>
    %add3A_740 = vector.broadcast %get3A_738 : vector<1x128xf32> to vector<1152x128xf32>
    %add3A_741 = arith.addf %add3A_739, %add3A_740 : vector<1152x128xf32>
    %get3A_742 = arith.constant 0 : index
    %get3A_743 = arith.constant 5248 : index
    %get3A_744 = vector.load %arg6[%get3A_742, %get3A_743] : memref<1152x8192xf32, #tpu.memory_space<vmem>>, vector<1152x128xf32>
    %sub3A_745 = arith.subf %add3A_741, %get3A_744 : vector<1152x128xf32>
    %lt3A_746 = arith.cmpf olt, %sub3A_745, %min3A_732 : vector<1152x128xf32>
    %min3A_747 = arith.minimumf %min3A_732, %sub3A_745 : vector<1152x128xf32>
    %jit3A_748 = arith.constant 41 : i32
    %broadcast_in_dim3A_749 = vector.broadcast %jit3A_748 : i32 to vector<1152x128xi32>
    %select_n3A_750 = arith.select %lt3A_746, %broadcast_in_dim3A_749, %select_n3A_735 : vector<1152x128xi1>, vector<1152x128xi32>
    %get3A_751 = arith.constant 0 : index
    %get3A_752 = arith.constant 5376 : index
    %get3A_753 = vector.load %arg3[%get3A_751, %get3A_752] : memref<1x8192xf32, #tpu.memory_space<vmem>>, vector<1x128xf32>
    %add3A_754 = vector.broadcast %broadcast_in_dim3A : vector<1152x1xf32> to vector<1152x128xf32>
    %add3A_755 = vector.broadcast %get3A_753 : vector<1x128xf32> to vector<1152x128xf32>
    %add3A_756 = arith.addf %add3A_754, %add3A_755 : vector<1152x128xf32>
    %get3A_757 = arith.constant 0 : index
    %get3A_758 = arith.constant 5376 : index
    %get3A_759 = vector.load %arg6[%get3A_757, %get3A_758] : memref<1152x8192xf32, #tpu.memory_space<vmem>>, vector<1152x128xf32>
    %sub3A_760 = arith.subf %add3A_756, %get3A_759 : vector<1152x128xf32>
    %lt3A_761 = arith.cmpf olt, %sub3A_760, %min3A_747 : vector<1152x128xf32>
    %min3A_762 = arith.minimumf %min3A_747, %sub3A_760 : vector<1152x128xf32>
    %jit3A_763 = arith.constant 42 : i32
    %broadcast_in_dim3A_764 = vector.broadcast %jit3A_763 : i32 to vector<1152x128xi32>
    %select_n3A_765 = arith.select %lt3A_761, %broadcast_in_dim3A_764, %select_n3A_750 : vector<1152x128xi1>, vector<1152x128xi32>
    %get3A_766 = arith.constant 0 : index
    %get3A_767 = arith.constant 5504 : index
    %get3A_768 = vector.load %arg3[%get3A_766, %get3A_767] : memref<1x8192xf32, #tpu.memory_space<vmem>>, vector<1x128xf32>
    %add3A_769 = vector.broadcast %broadcast_in_dim3A : vector<1152x1xf32> to vector<1152x128xf32>
    %add3A_770 = vector.broadcast %get3A_768 : vector<1x128xf32> to vector<1152x128xf32>
    %add3A_771 = arith.addf %add3A_769, %add3A_770 : vector<1152x128xf32>
    %get3A_772 = arith.constant 0 : index
    %get3A_773 = arith.constant 5504 : index
    %get3A_774 = vector.load %arg6[%get3A_772, %get3A_773] : memref<1152x8192xf32, #tpu.memory_space<vmem>>, vector<1152x128xf32>
    %sub3A_775 = arith.subf %add3A_771, %get3A_774 : vector<1152x128xf32>
    %lt3A_776 = arith.cmpf olt, %sub3A_775, %min3A_762 : vector<1152x128xf32>
    %min3A_777 = arith.minimumf %min3A_762, %sub3A_775 : vector<1152x128xf32>
    %jit3A_778 = arith.constant 43 : i32
    %broadcast_in_dim3A_779 = vector.broadcast %jit3A_778 : i32 to vector<1152x128xi32>
    %select_n3A_780 = arith.select %lt3A_776, %broadcast_in_dim3A_779, %select_n3A_765 : vector<1152x128xi1>, vector<1152x128xi32>
    %get3A_781 = arith.constant 0 : index
    %get3A_782 = arith.constant 5632 : index
    %get3A_783 = vector.load %arg3[%get3A_781, %get3A_782] : memref<1x8192xf32, #tpu.memory_space<vmem>>, vector<1x128xf32>
    %add3A_784 = vector.broadcast %broadcast_in_dim3A : vector<1152x1xf32> to vector<1152x128xf32>
    %add3A_785 = vector.broadcast %get3A_783 : vector<1x128xf32> to vector<1152x128xf32>
    %add3A_786 = arith.addf %add3A_784, %add3A_785 : vector<1152x128xf32>
    %get3A_787 = arith.constant 0 : index
    %get3A_788 = arith.constant 5632 : index
    %get3A_789 = vector.load %arg6[%get3A_787, %get3A_788] : memref<1152x8192xf32, #tpu.memory_space<vmem>>, vector<1152x128xf32>
    %sub3A_790 = arith.subf %add3A_786, %get3A_789 : vector<1152x128xf32>
    %lt3A_791 = arith.cmpf olt, %sub3A_790, %min3A_777 : vector<1152x128xf32>
    %min3A_792 = arith.minimumf %min3A_777, %sub3A_790 : vector<1152x128xf32>
    %jit3A_793 = arith.constant 44 : i32
    %broadcast_in_dim3A_794 = vector.broadcast %jit3A_793 : i32 to vector<1152x128xi32>
    %select_n3A_795 = arith.select %lt3A_791, %broadcast_in_dim3A_794, %select_n3A_780 : vector<1152x128xi1>, vector<1152x128xi32>
    %get3A_796 = arith.constant 0 : index
    %get3A_797 = arith.constant 5760 : index
    %get3A_798 = vector.load %arg3[%get3A_796, %get3A_797] : memref<1x8192xf32, #tpu.memory_space<vmem>>, vector<1x128xf32>
    %add3A_799 = vector.broadcast %broadcast_in_dim3A : vector<1152x1xf32> to vector<1152x128xf32>
    %add3A_800 = vector.broadcast %get3A_798 : vector<1x128xf32> to vector<1152x128xf32>
    %add3A_801 = arith.addf %add3A_799, %add3A_800 : vector<1152x128xf32>
    %get3A_802 = arith.constant 0 : index
    %get3A_803 = arith.constant 5760 : index
    %get3A_804 = vector.load %arg6[%get3A_802, %get3A_803] : memref<1152x8192xf32, #tpu.memory_space<vmem>>, vector<1152x128xf32>
    %sub3A_805 = arith.subf %add3A_801, %get3A_804 : vector<1152x128xf32>
    %lt3A_806 = arith.cmpf olt, %sub3A_805, %min3A_792 : vector<1152x128xf32>
    %min3A_807 = arith.minimumf %min3A_792, %sub3A_805 : vector<1152x128xf32>
    %jit3A_808 = arith.constant 45 : i32
    %broadcast_in_dim3A_809 = vector.broadcast %jit3A_808 : i32 to vector<1152x128xi32>
    %select_n3A_810 = arith.select %lt3A_806, %broadcast_in_dim3A_809, %select_n3A_795 : vector<1152x128xi1>, vector<1152x128xi32>
    %get3A_811 = arith.constant 0 : index
    %get3A_812 = arith.constant 5888 : index
    %get3A_813 = vector.load %arg3[%get3A_811, %get3A_812] : memref<1x8192xf32, #tpu.memory_space<vmem>>, vector<1x128xf32>
    %add3A_814 = vector.broadcast %broadcast_in_dim3A : vector<1152x1xf32> to vector<1152x128xf32>
    %add3A_815 = vector.broadcast %get3A_813 : vector<1x128xf32> to vector<1152x128xf32>
    %add3A_816 = arith.addf %add3A_814, %add3A_815 : vector<1152x128xf32>
    %get3A_817 = arith.constant 0 : index
    %get3A_818 = arith.constant 5888 : index
    %get3A_819 = vector.load %arg6[%get3A_817, %get3A_818] : memref<1152x8192xf32, #tpu.memory_space<vmem>>, vector<1152x128xf32>
    %sub3A_820 = arith.subf %add3A_816, %get3A_819 : vector<1152x128xf32>
    %lt3A_821 = arith.cmpf olt, %sub3A_820, %min3A_807 : vector<1152x128xf32>
    %min3A_822 = arith.minimumf %min3A_807, %sub3A_820 : vector<1152x128xf32>
    %jit3A_823 = arith.constant 46 : i32
    %broadcast_in_dim3A_824 = vector.broadcast %jit3A_823 : i32 to vector<1152x128xi32>
    %select_n3A_825 = arith.select %lt3A_821, %broadcast_in_dim3A_824, %select_n3A_810 : vector<1152x128xi1>, vector<1152x128xi32>
    %get3A_826 = arith.constant 0 : index
    %get3A_827 = arith.constant 6016 : index
    %get3A_828 = vector.load %arg3[%get3A_826, %get3A_827] : memref<1x8192xf32, #tpu.memory_space<vmem>>, vector<1x128xf32>
    %add3A_829 = vector.broadcast %broadcast_in_dim3A : vector<1152x1xf32> to vector<1152x128xf32>
    %add3A_830 = vector.broadcast %get3A_828 : vector<1x128xf32> to vector<1152x128xf32>
    %add3A_831 = arith.addf %add3A_829, %add3A_830 : vector<1152x128xf32>
    %get3A_832 = arith.constant 0 : index
    %get3A_833 = arith.constant 6016 : index
    %get3A_834 = vector.load %arg6[%get3A_832, %get3A_833] : memref<1152x8192xf32, #tpu.memory_space<vmem>>, vector<1152x128xf32>
    %sub3A_835 = arith.subf %add3A_831, %get3A_834 : vector<1152x128xf32>
    %lt3A_836 = arith.cmpf olt, %sub3A_835, %min3A_822 : vector<1152x128xf32>
    %min3A_837 = arith.minimumf %min3A_822, %sub3A_835 : vector<1152x128xf32>
    %jit3A_838 = arith.constant 47 : i32
    %broadcast_in_dim3A_839 = vector.broadcast %jit3A_838 : i32 to vector<1152x128xi32>
    %select_n3A_840 = arith.select %lt3A_836, %broadcast_in_dim3A_839, %select_n3A_825 : vector<1152x128xi1>, vector<1152x128xi32>
    %get3A_841 = arith.constant 0 : index
    %get3A_842 = arith.constant 6144 : index
    %get3A_843 = vector.load %arg3[%get3A_841, %get3A_842] : memref<1x8192xf32, #tpu.memory_space<vmem>>, vector<1x128xf32>
    %add3A_844 = vector.broadcast %broadcast_in_dim3A : vector<1152x1xf32> to vector<1152x128xf32>
    %add3A_845 = vector.broadcast %get3A_843 : vector<1x128xf32> to vector<1152x128xf32>
    %add3A_846 = arith.addf %add3A_844, %add3A_845 : vector<1152x128xf32>
    %get3A_847 = arith.constant 0 : index
    %get3A_848 = arith.constant 6144 : index
    %get3A_849 = vector.load %arg6[%get3A_847, %get3A_848] : memref<1152x8192xf32, #tpu.memory_space<vmem>>, vector<1152x128xf32>
    %sub3A_850 = arith.subf %add3A_846, %get3A_849 : vector<1152x128xf32>
    %lt3A_851 = arith.cmpf olt, %sub3A_850, %min3A_837 : vector<1152x128xf32>
    %min3A_852 = arith.minimumf %min3A_837, %sub3A_850 : vector<1152x128xf32>
    %jit3A_853 = arith.constant 48 : i32
    %broadcast_in_dim3A_854 = vector.broadcast %jit3A_853 : i32 to vector<1152x128xi32>
    %select_n3A_855 = arith.select %lt3A_851, %broadcast_in_dim3A_854, %select_n3A_840 : vector<1152x128xi1>, vector<1152x128xi32>
    %get3A_856 = arith.constant 0 : index
    %get3A_857 = arith.constant 6272 : index
    %get3A_858 = vector.load %arg3[%get3A_856, %get3A_857] : memref<1x8192xf32, #tpu.memory_space<vmem>>, vector<1x128xf32>
    %add3A_859 = vector.broadcast %broadcast_in_dim3A : vector<1152x1xf32> to vector<1152x128xf32>
    %add3A_860 = vector.broadcast %get3A_858 : vector<1x128xf32> to vector<1152x128xf32>
    %add3A_861 = arith.addf %add3A_859, %add3A_860 : vector<1152x128xf32>
    %get3A_862 = arith.constant 0 : index
    %get3A_863 = arith.constant 6272 : index
    %get3A_864 = vector.load %arg6[%get3A_862, %get3A_863] : memref<1152x8192xf32, #tpu.memory_space<vmem>>, vector<1152x128xf32>
    %sub3A_865 = arith.subf %add3A_861, %get3A_864 : vector<1152x128xf32>
    %lt3A_866 = arith.cmpf olt, %sub3A_865, %min3A_852 : vector<1152x128xf32>
    %min3A_867 = arith.minimumf %min3A_852, %sub3A_865 : vector<1152x128xf32>
    %jit3A_868 = arith.constant 49 : i32
    %broadcast_in_dim3A_869 = vector.broadcast %jit3A_868 : i32 to vector<1152x128xi32>
    %select_n3A_870 = arith.select %lt3A_866, %broadcast_in_dim3A_869, %select_n3A_855 : vector<1152x128xi1>, vector<1152x128xi32>
    %get3A_871 = arith.constant 0 : index
    %get3A_872 = arith.constant 6400 : index
    %get3A_873 = vector.load %arg3[%get3A_871, %get3A_872] : memref<1x8192xf32, #tpu.memory_space<vmem>>, vector<1x128xf32>
    %add3A_874 = vector.broadcast %broadcast_in_dim3A : vector<1152x1xf32> to vector<1152x128xf32>
    %add3A_875 = vector.broadcast %get3A_873 : vector<1x128xf32> to vector<1152x128xf32>
    %add3A_876 = arith.addf %add3A_874, %add3A_875 : vector<1152x128xf32>
    %get3A_877 = arith.constant 0 : index
    %get3A_878 = arith.constant 6400 : index
    %get3A_879 = vector.load %arg6[%get3A_877, %get3A_878] : memref<1152x8192xf32, #tpu.memory_space<vmem>>, vector<1152x128xf32>
    %sub3A_880 = arith.subf %add3A_876, %get3A_879 : vector<1152x128xf32>
    %lt3A_881 = arith.cmpf olt, %sub3A_880, %min3A_867 : vector<1152x128xf32>
    %min3A_882 = arith.minimumf %min3A_867, %sub3A_880 : vector<1152x128xf32>
    %jit3A_883 = arith.constant 50 : i32
    %broadcast_in_dim3A_884 = vector.broadcast %jit3A_883 : i32 to vector<1152x128xi32>
    %select_n3A_885 = arith.select %lt3A_881, %broadcast_in_dim3A_884, %select_n3A_870 : vector<1152x128xi1>, vector<1152x128xi32>
    %get3A_886 = arith.constant 0 : index
    %get3A_887 = arith.constant 6528 : index
    %get3A_888 = vector.load %arg3[%get3A_886, %get3A_887] : memref<1x8192xf32, #tpu.memory_space<vmem>>, vector<1x128xf32>
    %add3A_889 = vector.broadcast %broadcast_in_dim3A : vector<1152x1xf32> to vector<1152x128xf32>
    %add3A_890 = vector.broadcast %get3A_888 : vector<1x128xf32> to vector<1152x128xf32>
    %add3A_891 = arith.addf %add3A_889, %add3A_890 : vector<1152x128xf32>
    %get3A_892 = arith.constant 0 : index
    %get3A_893 = arith.constant 6528 : index
    %get3A_894 = vector.load %arg6[%get3A_892, %get3A_893] : memref<1152x8192xf32, #tpu.memory_space<vmem>>, vector<1152x128xf32>
    %sub3A_895 = arith.subf %add3A_891, %get3A_894 : vector<1152x128xf32>
    %lt3A_896 = arith.cmpf olt, %sub3A_895, %min3A_882 : vector<1152x128xf32>
    %min3A_897 = arith.minimumf %min3A_882, %sub3A_895 : vector<1152x128xf32>
    %jit3A_898 = arith.constant 51 : i32
    %broadcast_in_dim3A_899 = vector.broadcast %jit3A_898 : i32 to vector<1152x128xi32>
    %select_n3A_900 = arith.select %lt3A_896, %broadcast_in_dim3A_899, %select_n3A_885 : vector<1152x128xi1>, vector<1152x128xi32>
    %get3A_901 = arith.constant 0 : index
    %get3A_902 = arith.constant 6656 : index
    %get3A_903 = vector.load %arg3[%get3A_901, %get3A_902] : memref<1x8192xf32, #tpu.memory_space<vmem>>, vector<1x128xf32>
    %add3A_904 = vector.broadcast %broadcast_in_dim3A : vector<1152x1xf32> to vector<1152x128xf32>
    %add3A_905 = vector.broadcast %get3A_903 : vector<1x128xf32> to vector<1152x128xf32>
    %add3A_906 = arith.addf %add3A_904, %add3A_905 : vector<1152x128xf32>
    %get3A_907 = arith.constant 0 : index
    %get3A_908 = arith.constant 6656 : index
    %get3A_909 = vector.load %arg6[%get3A_907, %get3A_908] : memref<1152x8192xf32, #tpu.memory_space<vmem>>, vector<1152x128xf32>
    %sub3A_910 = arith.subf %add3A_906, %get3A_909 : vector<1152x128xf32>
    %lt3A_911 = arith.cmpf olt, %sub3A_910, %min3A_897 : vector<1152x128xf32>
    %min3A_912 = arith.minimumf %min3A_897, %sub3A_910 : vector<1152x128xf32>
    %jit3A_913 = arith.constant 52 : i32
    %broadcast_in_dim3A_914 = vector.broadcast %jit3A_913 : i32 to vector<1152x128xi32>
    %select_n3A_915 = arith.select %lt3A_911, %broadcast_in_dim3A_914, %select_n3A_900 : vector<1152x128xi1>, vector<1152x128xi32>
    %get3A_916 = arith.constant 0 : index
    %get3A_917 = arith.constant 6784 : index
    %get3A_918 = vector.load %arg3[%get3A_916, %get3A_917] : memref<1x8192xf32, #tpu.memory_space<vmem>>, vector<1x128xf32>
    %add3A_919 = vector.broadcast %broadcast_in_dim3A : vector<1152x1xf32> to vector<1152x128xf32>
    %add3A_920 = vector.broadcast %get3A_918 : vector<1x128xf32> to vector<1152x128xf32>
    %add3A_921 = arith.addf %add3A_919, %add3A_920 : vector<1152x128xf32>
    %get3A_922 = arith.constant 0 : index
    %get3A_923 = arith.constant 6784 : index
    %get3A_924 = vector.load %arg6[%get3A_922, %get3A_923] : memref<1152x8192xf32, #tpu.memory_space<vmem>>, vector<1152x128xf32>
    %sub3A_925 = arith.subf %add3A_921, %get3A_924 : vector<1152x128xf32>
    %lt3A_926 = arith.cmpf olt, %sub3A_925, %min3A_912 : vector<1152x128xf32>
    %min3A_927 = arith.minimumf %min3A_912, %sub3A_925 : vector<1152x128xf32>
    %jit3A_928 = arith.constant 53 : i32
    %broadcast_in_dim3A_929 = vector.broadcast %jit3A_928 : i32 to vector<1152x128xi32>
    %select_n3A_930 = arith.select %lt3A_926, %broadcast_in_dim3A_929, %select_n3A_915 : vector<1152x128xi1>, vector<1152x128xi32>
    %get3A_931 = arith.constant 0 : index
    %get3A_932 = arith.constant 6912 : index
    %get3A_933 = vector.load %arg3[%get3A_931, %get3A_932] : memref<1x8192xf32, #tpu.memory_space<vmem>>, vector<1x128xf32>
    %add3A_934 = vector.broadcast %broadcast_in_dim3A : vector<1152x1xf32> to vector<1152x128xf32>
    %add3A_935 = vector.broadcast %get3A_933 : vector<1x128xf32> to vector<1152x128xf32>
    %add3A_936 = arith.addf %add3A_934, %add3A_935 : vector<1152x128xf32>
    %get3A_937 = arith.constant 0 : index
    %get3A_938 = arith.constant 6912 : index
    %get3A_939 = vector.load %arg6[%get3A_937, %get3A_938] : memref<1152x8192xf32, #tpu.memory_space<vmem>>, vector<1152x128xf32>
    %sub3A_940 = arith.subf %add3A_936, %get3A_939 : vector<1152x128xf32>
    %lt3A_941 = arith.cmpf olt, %sub3A_940, %min3A_927 : vector<1152x128xf32>
    %min3A_942 = arith.minimumf %min3A_927, %sub3A_940 : vector<1152x128xf32>
    %jit3A_943 = arith.constant 54 : i32
    %broadcast_in_dim3A_944 = vector.broadcast %jit3A_943 : i32 to vector<1152x128xi32>
    %select_n3A_945 = arith.select %lt3A_941, %broadcast_in_dim3A_944, %select_n3A_930 : vector<1152x128xi1>, vector<1152x128xi32>
    %get3A_946 = arith.constant 0 : index
    %get3A_947 = arith.constant 7040 : index
    %get3A_948 = vector.load %arg3[%get3A_946, %get3A_947] : memref<1x8192xf32, #tpu.memory_space<vmem>>, vector<1x128xf32>
    %add3A_949 = vector.broadcast %broadcast_in_dim3A : vector<1152x1xf32> to vector<1152x128xf32>
    %add3A_950 = vector.broadcast %get3A_948 : vector<1x128xf32> to vector<1152x128xf32>
    %add3A_951 = arith.addf %add3A_949, %add3A_950 : vector<1152x128xf32>
    %get3A_952 = arith.constant 0 : index
    %get3A_953 = arith.constant 7040 : index
    %get3A_954 = vector.load %arg6[%get3A_952, %get3A_953] : memref<1152x8192xf32, #tpu.memory_space<vmem>>, vector<1152x128xf32>
    %sub3A_955 = arith.subf %add3A_951, %get3A_954 : vector<1152x128xf32>
    %lt3A_956 = arith.cmpf olt, %sub3A_955, %min3A_942 : vector<1152x128xf32>
    %min3A_957 = arith.minimumf %min3A_942, %sub3A_955 : vector<1152x128xf32>
    %jit3A_958 = arith.constant 55 : i32
    %broadcast_in_dim3A_959 = vector.broadcast %jit3A_958 : i32 to vector<1152x128xi32>
    %select_n3A_960 = arith.select %lt3A_956, %broadcast_in_dim3A_959, %select_n3A_945 : vector<1152x128xi1>, vector<1152x128xi32>
    %get3A_961 = arith.constant 0 : index
    %get3A_962 = arith.constant 7168 : index
    %get3A_963 = vector.load %arg3[%get3A_961, %get3A_962] : memref<1x8192xf32, #tpu.memory_space<vmem>>, vector<1x128xf32>
    %add3A_964 = vector.broadcast %broadcast_in_dim3A : vector<1152x1xf32> to vector<1152x128xf32>
    %add3A_965 = vector.broadcast %get3A_963 : vector<1x128xf32> to vector<1152x128xf32>
    %add3A_966 = arith.addf %add3A_964, %add3A_965 : vector<1152x128xf32>
    %get3A_967 = arith.constant 0 : index
    %get3A_968 = arith.constant 7168 : index
    %get3A_969 = vector.load %arg6[%get3A_967, %get3A_968] : memref<1152x8192xf32, #tpu.memory_space<vmem>>, vector<1152x128xf32>
    %sub3A_970 = arith.subf %add3A_966, %get3A_969 : vector<1152x128xf32>
    %lt3A_971 = arith.cmpf olt, %sub3A_970, %min3A_957 : vector<1152x128xf32>
    %min3A_972 = arith.minimumf %min3A_957, %sub3A_970 : vector<1152x128xf32>
    %jit3A_973 = arith.constant 56 : i32
    %broadcast_in_dim3A_974 = vector.broadcast %jit3A_973 : i32 to vector<1152x128xi32>
    %select_n3A_975 = arith.select %lt3A_971, %broadcast_in_dim3A_974, %select_n3A_960 : vector<1152x128xi1>, vector<1152x128xi32>
    %get3A_976 = arith.constant 0 : index
    %get3A_977 = arith.constant 7296 : index
    %get3A_978 = vector.load %arg3[%get3A_976, %get3A_977] : memref<1x8192xf32, #tpu.memory_space<vmem>>, vector<1x128xf32>
    %add3A_979 = vector.broadcast %broadcast_in_dim3A : vector<1152x1xf32> to vector<1152x128xf32>
    %add3A_980 = vector.broadcast %get3A_978 : vector<1x128xf32> to vector<1152x128xf32>
    %add3A_981 = arith.addf %add3A_979, %add3A_980 : vector<1152x128xf32>
    %get3A_982 = arith.constant 0 : index
    %get3A_983 = arith.constant 7296 : index
    %get3A_984 = vector.load %arg6[%get3A_982, %get3A_983] : memref<1152x8192xf32, #tpu.memory_space<vmem>>, vector<1152x128xf32>
    %sub3A_985 = arith.subf %add3A_981, %get3A_984 : vector<1152x128xf32>
    %lt3A_986 = arith.cmpf olt, %sub3A_985, %min3A_972 : vector<1152x128xf32>
    %min3A_987 = arith.minimumf %min3A_972, %sub3A_985 : vector<1152x128xf32>
    %jit3A_988 = arith.constant 57 : i32
    %broadcast_in_dim3A_989 = vector.broadcast %jit3A_988 : i32 to vector<1152x128xi32>
    %select_n3A_990 = arith.select %lt3A_986, %broadcast_in_dim3A_989, %select_n3A_975 : vector<1152x128xi1>, vector<1152x128xi32>
    %get3A_991 = arith.constant 0 : index
    %get3A_992 = arith.constant 7424 : index
    %get3A_993 = vector.load %arg3[%get3A_991, %get3A_992] : memref<1x8192xf32, #tpu.memory_space<vmem>>, vector<1x128xf32>
    %add3A_994 = vector.broadcast %broadcast_in_dim3A : vector<1152x1xf32> to vector<1152x128xf32>
    %add3A_995 = vector.broadcast %get3A_993 : vector<1x128xf32> to vector<1152x128xf32>
    %add3A_996 = arith.addf %add3A_994, %add3A_995 : vector<1152x128xf32>
    %get3A_997 = arith.constant 0 : index
    %get3A_998 = arith.constant 7424 : index
    %get3A_999 = vector.load %arg6[%get3A_997, %get3A_998] : memref<1152x8192xf32, #tpu.memory_space<vmem>>, vector<1152x128xf32>
    %sub3A_1000 = arith.subf %add3A_996, %get3A_999 : vector<1152x128xf32>
    %lt3A_1001 = arith.cmpf olt, %sub3A_1000, %min3A_987 : vector<1152x128xf32>
    %min3A_1002 = arith.minimumf %min3A_987, %sub3A_1000 : vector<1152x128xf32>
    %jit3A_1003 = arith.constant 58 : i32
    %broadcast_in_dim3A_1004 = vector.broadcast %jit3A_1003 : i32 to vector<1152x128xi32>
    %select_n3A_1005 = arith.select %lt3A_1001, %broadcast_in_dim3A_1004, %select_n3A_990 : vector<1152x128xi1>, vector<1152x128xi32>
    %get3A_1006 = arith.constant 0 : index
    %get3A_1007 = arith.constant 7552 : index
    %get3A_1008 = vector.load %arg3[%get3A_1006, %get3A_1007] : memref<1x8192xf32, #tpu.memory_space<vmem>>, vector<1x128xf32>
    %add3A_1009 = vector.broadcast %broadcast_in_dim3A : vector<1152x1xf32> to vector<1152x128xf32>
    %add3A_1010 = vector.broadcast %get3A_1008 : vector<1x128xf32> to vector<1152x128xf32>
    %add3A_1011 = arith.addf %add3A_1009, %add3A_1010 : vector<1152x128xf32>
    %get3A_1012 = arith.constant 0 : index
    %get3A_1013 = arith.constant 7552 : index
    %get3A_1014 = vector.load %arg6[%get3A_1012, %get3A_1013] : memref<1152x8192xf32, #tpu.memory_space<vmem>>, vector<1152x128xf32>
    %sub3A_1015 = arith.subf %add3A_1011, %get3A_1014 : vector<1152x128xf32>
    %lt3A_1016 = arith.cmpf olt, %sub3A_1015, %min3A_1002 : vector<1152x128xf32>
    %min3A_1017 = arith.minimumf %min3A_1002, %sub3A_1015 : vector<1152x128xf32>
    %jit3A_1018 = arith.constant 59 : i32
    %broadcast_in_dim3A_1019 = vector.broadcast %jit3A_1018 : i32 to vector<1152x128xi32>
    %select_n3A_1020 = arith.select %lt3A_1016, %broadcast_in_dim3A_1019, %select_n3A_1005 : vector<1152x128xi1>, vector<1152x128xi32>
    %get3A_1021 = arith.constant 0 : index
    %get3A_1022 = arith.constant 7680 : index
    %get3A_1023 = vector.load %arg3[%get3A_1021, %get3A_1022] : memref<1x8192xf32, #tpu.memory_space<vmem>>, vector<1x128xf32>
    %add3A_1024 = vector.broadcast %broadcast_in_dim3A : vector<1152x1xf32> to vector<1152x128xf32>
    %add3A_1025 = vector.broadcast %get3A_1023 : vector<1x128xf32> to vector<1152x128xf32>
    %add3A_1026 = arith.addf %add3A_1024, %add3A_1025 : vector<1152x128xf32>
    %get3A_1027 = arith.constant 0 : index
    %get3A_1028 = arith.constant 7680 : index
    %get3A_1029 = vector.load %arg6[%get3A_1027, %get3A_1028] : memref<1152x8192xf32, #tpu.memory_space<vmem>>, vector<1152x128xf32>
    %sub3A_1030 = arith.subf %add3A_1026, %get3A_1029 : vector<1152x128xf32>
    %lt3A_1031 = arith.cmpf olt, %sub3A_1030, %min3A_1017 : vector<1152x128xf32>
    %min3A_1032 = arith.minimumf %min3A_1017, %sub3A_1030 : vector<1152x128xf32>
    %jit3A_1033 = arith.constant 60 : i32
    %broadcast_in_dim3A_1034 = vector.broadcast %jit3A_1033 : i32 to vector<1152x128xi32>
    %select_n3A_1035 = arith.select %lt3A_1031, %broadcast_in_dim3A_1034, %select_n3A_1020 : vector<1152x128xi1>, vector<1152x128xi32>
    %get3A_1036 = arith.constant 0 : index
    %get3A_1037 = arith.constant 7808 : index
    %get3A_1038 = vector.load %arg3[%get3A_1036, %get3A_1037] : memref<1x8192xf32, #tpu.memory_space<vmem>>, vector<1x128xf32>
    %add3A_1039 = vector.broadcast %broadcast_in_dim3A : vector<1152x1xf32> to vector<1152x128xf32>
    %add3A_1040 = vector.broadcast %get3A_1038 : vector<1x128xf32> to vector<1152x128xf32>
    %add3A_1041 = arith.addf %add3A_1039, %add3A_1040 : vector<1152x128xf32>
    %get3A_1042 = arith.constant 0 : index
    %get3A_1043 = arith.constant 7808 : index
    %get3A_1044 = vector.load %arg6[%get3A_1042, %get3A_1043] : memref<1152x8192xf32, #tpu.memory_space<vmem>>, vector<1152x128xf32>
    %sub3A_1045 = arith.subf %add3A_1041, %get3A_1044 : vector<1152x128xf32>
    %lt3A_1046 = arith.cmpf olt, %sub3A_1045, %min3A_1032 : vector<1152x128xf32>
    %min3A_1047 = arith.minimumf %min3A_1032, %sub3A_1045 : vector<1152x128xf32>
    %jit3A_1048 = arith.constant 61 : i32
    %broadcast_in_dim3A_1049 = vector.broadcast %jit3A_1048 : i32 to vector<1152x128xi32>
    %select_n3A_1050 = arith.select %lt3A_1046, %broadcast_in_dim3A_1049, %select_n3A_1035 : vector<1152x128xi1>, vector<1152x128xi32>
    %get3A_1051 = arith.constant 0 : index
    %get3A_1052 = arith.constant 7936 : index
    %get3A_1053 = vector.load %arg3[%get3A_1051, %get3A_1052] : memref<1x8192xf32, #tpu.memory_space<vmem>>, vector<1x128xf32>
    %add3A_1054 = vector.broadcast %broadcast_in_dim3A : vector<1152x1xf32> to vector<1152x128xf32>
    %add3A_1055 = vector.broadcast %get3A_1053 : vector<1x128xf32> to vector<1152x128xf32>
    %add3A_1056 = arith.addf %add3A_1054, %add3A_1055 : vector<1152x128xf32>
    %get3A_1057 = arith.constant 0 : index
    %get3A_1058 = arith.constant 7936 : index
    %get3A_1059 = vector.load %arg6[%get3A_1057, %get3A_1058] : memref<1152x8192xf32, #tpu.memory_space<vmem>>, vector<1152x128xf32>
    %sub3A_1060 = arith.subf %add3A_1056, %get3A_1059 : vector<1152x128xf32>
    %lt3A_1061 = arith.cmpf olt, %sub3A_1060, %min3A_1047 : vector<1152x128xf32>
    %min3A_1062 = arith.minimumf %min3A_1047, %sub3A_1060 : vector<1152x128xf32>
    %jit3A_1063 = arith.constant 62 : i32
    %broadcast_in_dim3A_1064 = vector.broadcast %jit3A_1063 : i32 to vector<1152x128xi32>
    %select_n3A_1065 = arith.select %lt3A_1061, %broadcast_in_dim3A_1064, %select_n3A_1050 : vector<1152x128xi1>, vector<1152x128xi32>
    %get3A_1066 = arith.constant 0 : index
    %get3A_1067 = arith.constant 8064 : index
    %get3A_1068 = vector.load %arg3[%get3A_1066, %get3A_1067] : memref<1x8192xf32, #tpu.memory_space<vmem>>, vector<1x128xf32>
    %add3A_1069 = vector.broadcast %broadcast_in_dim3A : vector<1152x1xf32> to vector<1152x128xf32>
    %add3A_1070 = vector.broadcast %get3A_1068 : vector<1x128xf32> to vector<1152x128xf32>
    %add3A_1071 = arith.addf %add3A_1069, %add3A_1070 : vector<1152x128xf32>
    %get3A_1072 = arith.constant 0 : index
    %get3A_1073 = arith.constant 8064 : index
    %get3A_1074 = vector.load %arg6[%get3A_1072, %get3A_1073] : memref<1152x8192xf32, #tpu.memory_space<vmem>>, vector<1152x128xf32>
    %sub3A_1075 = arith.subf %add3A_1071, %get3A_1074 : vector<1152x128xf32>
    %lt3A_1076 = arith.cmpf olt, %sub3A_1075, %min3A_1062 : vector<1152x128xf32>
    %min3A_1077 = arith.minimumf %min3A_1062, %sub3A_1075 : vector<1152x128xf32>
    %jit3A_1078 = arith.constant 63 : i32
    %broadcast_in_dim3A_1079 = vector.broadcast %jit3A_1078 : i32 to vector<1152x128xi32>
    %select_n3A_1080 = arith.select %lt3A_1076, %broadcast_in_dim3A_1079, %select_n3A_1065 : vector<1152x128xi1>, vector<1152x128xi32>
    %iota3A = tpu.iota {dimensions = array<i32: 1>} : vector<1152x128xi32>
    %mul3A_1081 = arith.constant 128 : i32
    %mul3A_1082 = vector.broadcast %mul3A_1081 : i32 to vector<1152x128xi32>
    %mul3A_1083 = arith.muli %select_n3A_1080, %mul3A_1082 : vector<1152x128xi32>
    %add3A_1084 = arith.addi %mul3A_1083, %iota3A : vector<1152x128xi32>
    %reduce_min3A = arith.constant dense<0x7F800000> : vector<1152xf32>
    %reduce_min3A_1085 = vector.multi_reduction <minimumf>, %min3A_1077, %reduce_min3A [1] : vector<1152x128xf32> to vector<1152xf32>
    %broadcast_in_dim3A_1086 = vector.shape_cast %reduce_min3A_1085 : vector<1152xf32> to vector<1152x1xf32>
    %eq3A = vector.broadcast %broadcast_in_dim3A_1086 : vector<1152x1xf32> to vector<1152x128xf32>
    %eq3A_1087 = arith.cmpf oeq, %min3A_1077, %eq3A : vector<1152x128xf32>
    %jit3A_1088 = arith.constant 8192 : i32
    %broadcast_in_dim3A_1089 = vector.broadcast %jit3A_1088 : i32 to vector<1152x128xi32>
    %select_n3A_1090 = arith.select %eq3A_1087, %add3A_1084, %broadcast_in_dim3A_1089 : vector<1152x128xi1>, vector<1152x128xi32>
    %reduce_min3A_1091 = arith.constant dense<2147483647> : vector<1152xi32>
    %reduce_min3A_1092 = vector.multi_reduction <minsi>, %select_n3A_1090, %reduce_min3A_1091 [1] : vector<1152x128xi32> to vector<1152xi32>
    %swap3A_1093 = arith.constant 0 : index
    %swap3A_1094 = arith.constant 0 : index
    %swap3A_1095 = arith.constant 0 : index
    %swap3A_1096 = vector.load %arg4[%swap3A_1093, %swap3A_1094, %swap3A_1095] : memref<1x1x1152xi32, #tpu.memory_space<vmem>>, vector<1x1x1152xi32>
    %swap3A_1097 = vector.shape_cast %swap3A_1096 : vector<1x1x1152xi32> to vector<1152xi32>
    %swap3A_1098 = vector.shape_cast %reduce_min3A_1092 : vector<1152xi32> to vector<1x1x1152xi32>
    tpu.vector_store %arg4[%swap3A_1093, %swap3A_1094, %swap3A_1095], %swap3A_1098 {strides = array<i32>} : memref<1x1x1152xi32, #tpu.memory_space<vmem>>, vector<1x1x1152xi32>,
    %reduce_sum3A_1099 = arith.constant dense<0.000000e+00> : vector<1xf32>
    %reduce_sum3A_1100 = vector.multi_reduction <add>, %broadcast_in_dim3A_1086, %reduce_sum3A_1099 [0] : vector<1152x1xf32> to vector<1xf32>
    %broadcast_in_dim3A_1101 = vector.shape_cast %reduce_sum3A_1100 : vector<1xf32> to vector<1x1xf32>
    %broadcast_in_dim3A_1102 = vector.shape_cast %broadcast_in_dim3A_1101 : vector<1x1xf32> to vector<1x1x1xf32>
    %swap3A_1103 = arith.constant 0 : index
    %swap3A_1104 = arith.constant 0 : index
    %swap3A_1105 = arith.constant 0 : index
    %swap3A_1106 = vector.load %arg5[%swap3A_1103, %swap3A_1104, %swap3A_1105] : memref<1x1x1xf32, #tpu.memory_space<vmem>>, vector<1x1x1xf32>
    tpu.vector_store %arg5[%swap3A_1103, %swap3A_1104, %swap3A_1105], %broadcast_in_dim3A_1102 {strides = array<i32>} : memref<1x1x1xf32, #tpu.memory_space<vmem>>, vector<1x1x1xf32>,
    return
  }
  func.func @transform_0(%arg0: i32) -> (i32, i32) {
    %c0_i32 = arith.constant 0 : i32
    %c0_i32_0 = arith.constant 0 : i32
    return %arg0, %c0_i32 : i32, i32
  }
  func.func @transform_1(%arg0: i32) -> (i32, i32) {
    %c0_i32 = arith.constant 0 : i32
    %c0_i32_0 = arith.constant 0 : i32
    %c0_i32_1 = arith.constant 0 : i32
    return %c0_i32, %c0_i32_0 : i32, i32
  }
  func.func @transform_2(%arg0: i32) -> (i32, i32) {
    %c0_i32 = arith.constant 0 : i32
    %c0_i32_0 = arith.constant 0 : i32
    %c0_i32_1 = arith.constant 0 : i32
    return %c0_i32, %c0_i32_0 : i32, i32
  }
  func.func @transform_3(%arg0: i32) -> (i32, i32, i32) {
    %c0_i32 = arith.constant 0 : i32
    %c0_i32_0 = arith.constant 0 : i32
    %c0_i32_1 = arith.constant 0 : i32
    return %arg0, %c0_i32, %c0_i32_0 : i32, i32, i32
  }
  func.func @transform_4(%arg0: i32) -> (i32, i32, i32) {
    %c0_i32 = arith.constant 0 : i32
    %c0_i32_0 = arith.constant 0 : i32
    %c0_i32_1 = arith.constant 0 : i32
    return %arg0, %c0_i32, %c0_i32_0 : i32, i32, i32
  }
}

</mosaic_0001>

<sc_bundles>
// kernel: kernel.6.cloned.1.call-start
scs
__scs_entry_jumppad:
0x0: {  	(pc) =	sbr.rel $0x88, $3  }
0x1: {  	(tag) =	ssettag $0x0;
	lr =	simm.s32 $0x1  }
0x2: {  	[smem:$0x3F9F] =	sst lr;
	_ =	strace $0xD0000000  }
0x3: {  	_ = 	snop  }
0x4: {  	_ = 	snop  }
0x5: {  	_ = 	snop  }
0x6: {  	_ = 	snop  }
0x7: {  	_ = 	snop  }
__scs_overlays_trampoline_lowered:
0x8: {  	[smem:$0x3FAE] =	sst s0  }
0x9: {  	[smem:$0x3FAF] =	sst s1  }
0xa: {  	[smem:$0x3FB0] =	sst s2  }
0xb: {  	[smem:$0x3FB1] =	sst s3  }
0xc: {  	[smem:$0x3FB2] =	sst s4  }
0xd: {  	[smem:$0x3FB3] =	sst s5  }
0xe: {  	[smem:$0x3FB4] =	sst s6  }
0xf: {  	[smem:$0x3FB5] =	sst s7  }
0x10: {  	[smem:$0x3FB6] =	sst s8  }
0x11: {  	[smem:$0x3FB7] =	sst s9;
	s0 =	simm.s32 @!p0 $0x0  }
0x12: {  	s1 =	sld [smem:$0x3F9D];
	s0 =	simm.s32 @p0 $0x1  }
0x13: {  	[smem:$0x3FB8] =	sst s0;
	s0 =	simm.s32 @!p1 $0x0  }
0x14: {  	s2 =	sld [smem:$0x3F9C];
	s0 =	simm.s32 @p1 $0x1  }
0x15: {  	[smem:$0x3FB9] =	sst s0;
	s0 =	simm.s32 @!p2 $0x0  }
0x16: {  	s3 =	sld [smem:$0x3FDB];
	s0 =	simm.s32 @p2 $0x1  }
0x17: {  	s4 =	simm.s32 $0x1BF5;
	[smem:$0x3FBB] =	sst s0  }
0x18: {  	s0 =	sld [smem:$0x3F9E];
	_ =	swait.ge [sflag:s4], $0x0  }
0x19: {  	s7 =	sld [smem:$0x3F9F]  }
0x1a: {  	s8 =	sadd.s32 $0xFFFFE003, lr  }
0x1b: {  	s9 =	sadd.s32 $0xFFFFFEF7, lr;
	s5 =	simm.s32 $0xFFFFFFFF;
	p2 =	slt.u32 s8, $0xFFFFF086  }
0x1c: {  	p1 =	slt.u32 s9, $0xF7A;
	s5 =	simm.s32 @!p2 $0x0  }
0x1d: {  	s5 =	simm.s32 @p1 $0x1;
	p0 =	seq.s32 s7, s2  }
0x1e: {  	s7 =	smul.u32 @!p0 $0xF7A, s2;
	p2 =	seq.s32 @!p0 s5, $0x0  }
0x1f: {  	s9 =	smul.u32 $0xF7A, s1;
	s8 =	simm.s32 @!p0 $0x1BF5;
	p2 =	por !p2, p0  }
0x20: {  	[sflag:s8] =	ssyncset.s32 @!p0 $0xFFFFF086;
	s6 =	sadd.s32 @!p0 s3, s7;
	s7 =	simm.s32 @!p0 $0x108  }
0x21: {  	s3 =	sadd.s32 s3, s9;
	s6 =	sadd.s32 @!p0 $0x88, s6;
	s7 =	simm.s32 @p2 $0x1082  }
0x22: {  	[simem:s7], [sflag:s8] =	dma.local @!p0 [hbm:s6], $0xF7A  }
0x23: {  	s9 =	sor.u32 $0xD0000000, s2;
	s6 =	simm.s32 $0x108;
	_ =	swait.ge @!p0 [sflag:s8], $0x0  }
0x24: {  	s3 =	sadd.s32 $0x88, s3;
	s6 =	simm.s32 @!p1 $0x1082;
	[sflag:s4] =	ssyncset.s32 $0xFFFFF086  }
0x25: {  	[simem:s6], [sflag:s4] =	dma.local [hbm:s3], $0xF7A  }
0x26: {  	[smem:$0x3F9F] =	sst s1;
	(tag) =	ssettag s2;
	_ =	strace s9  }
0x27: {  	s1 =	sld [smem:$0x3FAF]  }
0x28: {  	s2 =	sld [smem:$0x3FB0]  }
0x29: {  	s4 =	sld [smem:$0x3FB2]  }
0x2a: {  	p0 =	seq.s32 s5, $0x0;
	s5 =	sld [smem:$0x3FB3]  }
0x2b: {  	s6 =	sld [smem:$0x3FB4]  }
0x2c: {  	s7 =	sld [smem:$0x3FB5]  }
0x2d: {  	s3 =	simm.s32 $0x108;
	s8 =	sld [smem:$0x3FB6]  }
0x2e: {  	s3 =	simm.s32 @!p0 $0x1082;
	s9 =	sld [smem:$0x3FB7]  }
0x2f: {  	lr =	sadd.s32 s0, s3;
	s0 =	sld [smem:$0x3FAE]  }
0x30: {  	s3 =	sld [smem:$0x3FB1]  }
0x31: {  	[smem:$0x3FBA] =	sst s10  }
0x32: {  	s10 =	sld [smem:$0x3FB8];
	_ =	sdelay $0x3  }
0x33: {  	p0 =	seq.s32 s10, $0x1;
	s10 =	sld [smem:$0x3FBA];
	_ =	sdelay $0x3  }
0x34: {  	[smem:$0x3FBA] =	sst s10  }
0x35: {  	s10 =	sld [smem:$0x3FB9];
	_ =	sdelay $0x3  }
0x36: {  	p1 =	seq.s32 s10, $0x1;
	s10 =	sld [smem:$0x3FBA];
	_ =	sdelay $0x3  }
0x37: {  	[smem:$0x3FBA] =	sst s10  }
0x38: {  	s10 =	sld [smem:$0x3FBB]  }
0x39: {  	_ = 	snop;
	(pc) =	sbr.ind lr, $3  }
0x3a: {  	_ = 	snop  }
0x3b: {  	_ = 	snop  }
0x3c: {  	p2 =	seq.s32 s10, $0x1;
	s10 =	sld [smem:$0x3FBA]  }
0x3d: {  	_ =	shalt  }
0x3e: {  	_ =	shalt  }
0x3f: {  	_ =	shalt  }
0x40: {  	_ =	shalt  }
0x41: {  	_ =	shalt  }
0x42: {  	_ =	shalt  }
0x43: {  	_ =	shalt  }
0x44: {  	_ =	shalt  }
0x45: {  	_ =	shalt  }
0x46: {  	_ =	shalt  }
0x47: {  	_ =	shalt  }
0x48: {  	_ =	shalt  }
0x49: {  	_ =	shalt  }
0x4a: {  	_ =	shalt  }
0x4b: {  	_ =	shalt  }
0x4c: {  	_ =	shalt  }
0x4d: {  	_ =	shalt  }
0x4e: {  	_ =	shalt  }
0x4f: {  	_ =	shalt  }
0x50: {  	_ =	shalt  }
0x51: {  	_ =	shalt  }
0x52: {  	_ =	shalt  }
0x53: {  	_ =	shalt  }
0x54: {  	_ =	shalt  }
0x55: {  	_ =	shalt  }
0x56: {  	_ =	shalt  }
0x57: {  	_ =	shalt  }
0x58: {  	_ =	shalt  }
0x59: {  	_ =	shalt  }
0x5a: {  	_ =	shalt  }
0x5b: {  	_ =	shalt  }
0x5c: {  	_ =	shalt  }
0x5d: {  	_ =	shalt  }
0x5e: {  	_ =	shalt  }
0x5f: {  	_ =	shalt  }
0x60: {  	_ =	shalt  }
0x61: {  	_ =	shalt  }
0x62: {  	_ =	shalt  }
0x63: {  	_ =	shalt  }
0x64: {  	_ =	shalt  }
0x65: {  	_ =	shalt  }
0x66: {  	_ =	shalt  }
0x67: {  	_ =	shalt  }
0x68: {  	_ =	shalt  }
0x69: {  	_ =	shalt  }
0x6a: {  	_ =	shalt  }
0x6b: {  	_ =	shalt  }
0x6c: {  	_ =	shalt  }
0x6d: {  	_ =	shalt  }
0x6e: {  	_ =	shalt  }
0x6f: {  	_ =	shalt  }
0x70: {  	_ =	shalt  }
0x71: {  	_ =	shalt  }
0x72: {  	_ =	shalt  }
0x73: {  	_ =	shalt  }
0x74: {  	_ =	shalt  }
0x75: {  	_ =	shalt  }
0x76: {  	_ =	shalt  }
0x77: {  	_ =	shalt  }
0x78: {  	_ =	shalt  }
0x79: {  	_ =	shalt  }
0x7a: {  	_ =	shalt  }
0x7b: {  	_ =	shalt  }
0x7c: {  	_ =	shalt  }
0x7d: {  	_ =	shalt  }
0x7e: {  	_ =	shalt  }
0x7f: {  	_ =	shalt  }
0x80: {  	_ =	shalt  }
0x81: {  	_ =	shalt  }
0x82: {  	_ =	shalt  }
0x83: {  	_ =	shalt  }
0x84: {  	_ =	shalt  }
0x85: {  	_ =	shalt  }
0x86: {  	_ =	shalt  }
0x87: {  	_ =	shalt  }
.Lfunc_end0:
.L_simem_size_0:
called_computation_lowered:
.L_overlay_start_0:
0x88: {  	s2 =	sld [smem:$0x3FD9]  }
0x89: {  	s3 =	sld [smem:$0x3FFE];
	_ =	sdelay $0x1  }
0x8a: {  	s1 =	srdreg.scid  }
0x8b: {  	s0 =	sand.u32 $0x1, s1  }
0x8c: {  	s14 =	sshll.u32 s0, $0xA;
	s2 =	sadd.s32 s3, s2  }
0x8d: {  	s2 =	sadd.s32 s2, s14  }
0x8e: {  	[smem:$0x3FC6] =	sst s2  }
0x8f: {  	_ = 	snop  }
0x90: {  	s2 =	sld [smem:$0x3FD0];
	_ =	sdelay $0x2  }
0x91: {  	s4 =	simm.s32 $0xA;
	s5 =	simm.s32 $0x10;
	s15 =	sld [smem:$0x3FC8]  }
0x92: {  	[smem:s5], [sflag:s4] =	dma.local [hbm:s2], $0x1  }
0x93: {  	_ =	swait.eq [sflag:s4], $0x1  }
0x94: {  	[sflag:s4] =	ssyncset.done $0x0  }
0x95: {  	[sflag:s4] =	ssyncadd.s32 $0xFFFFFFFF  }
0x96: {  	s16 =	sld [smem:$0x10];
	(tm) =	ssettm $0x1  }
0x97: {  	s17 =	sld [smem:$0x3FFB];
	_ =	sdelay $0x3  }
0x98: {  	_ =	strace s17  }
0x99: {  	s4 =	sld [smem:$0x3FFC];
	_ =	sdelay $0x3  }
0x9a: {  	_ =	strace s4  }
0x9b: {  	s4 =	sld [smem:$0x3FFD];
	_ =	sdelay $0x3  }
0x9c: {  	_ =	strace s4  }
0x9d: {  	_ =	strace $0x8FFFFFFF  }
0x9e: {  	s18 =	sld [smem:$0x3FDB];
	_ =	sdelay $0x1  }
0x9f: {  	s19 =	simm.s32 $_scs_section_size  }
0xa0: {  	s6 =	simm.s32 $_size__tile_overlayer_lowered;
	s7 =	simm.s32 $_tile_overlayer_lowered  }
0xa1: {  	s22 =	simm.s32 $0x1BFF;
	s21 =	sshll.u32 s7, $0x1;
	s4 =	sadd.s32 s19, s18  }
0xa2: {  	s8 =	simm.s32 $0x0;
	s20 =	sshll.u32 s6, $0x1;
	s6 =	sadd.s32 s21, s4  }
0xa3: {  	[timem:s8], [sflag:s22] =	dma.local [hbm:s6], s20  }
0xa4: {  	_ =	swait.ge [sflag:s22], s20  }
0xa5: {  	s5 =	ssub.s32 $0x0, s20;
	[sflag:s22] =	ssyncset.done $0x0  }
0xa6: {  	[sflag:s22] =	ssyncadd.s32 s5;
	_ =	sdelay $0x1  }
0xa7: {  	s23 =	simm.s32 $0x1B8B  }
0xa8: {  	_ =	swait.ge [sflag:s23], $0x1  }
0xa9: {  	[sflag:s23] =	ssyncset.done $0x0  }
0xaa: {  	s25 =	simm.s32 $0x1B8E;
	s24 =	sld [smem:$0x3FFE];
	[sflag:s23] =	ssyncadd.s32 $0xFFFFFFFF  }
0xab: {  	s26 =	simm.s32 $execute0_lowered;
	[smem:$0x3FD2] =	sst s25  }
0xac: {  	s6 =	sshll.u32 s26, $0x1;
	_ =	strace $0x80000046;
	[dreg:$0x1] =	wrdreg $0xFFFFFFFF  }
0xad: {  	s28 =	simm.s32 $_size_execute0_lowered;
	s4 =	sadd.s32 s4, s6;
	[dreg:$0x0] =	wrdreg $0x0  }
0xae: {  	s6 =	sshll.u32 s28, $0x1;
	[dreg:$0x2] =	wrdreg s4  }
0xaf: {  	[dreg:$0x3] =	wrdreg s6  }
0xb0: {  	[dreg:$0x4] =	wrdreg $0xC0  }
0xb1: {  	_ =	task [dreg:s8], $0x5FFFF  }
0xb2: {  	[dreg:$0x1] =	wrdreg $0xFFFFFFFF  }
0xb3: {  	[dreg:$0x0] =	wrdreg $0x60  }
0xb4: {  	[dreg:$0x2] =	wrdreg s15  }
0xb5: {  	[dreg:$0x3] =	wrdreg s24  }
0xb6: {  	[dreg:$0x4] =	wrdreg s16  }
0xb7: {  	[dreg:$0x5] =	wrdreg $0x9  }
0xb8: {  	_ =	task.clear_ibuf [dreg:s8], $0x6FFFF;
	_ =	strace $0x90000046  }
0xb9: {  	s29 =	simm.s32 $0x9;
	_ =	strace $0x8000004F  }
0xba: {  	_ =	swait.ge [sflag:s29], $0x1  }
0xbb: {  	[sflag:s29] =	ssyncadd.s32 $0xFFFFFFFF  }
0xbc: {  	_ =	strace $0x9000004F  }
0xbd: {  	_ =	sfence  }
0xbe: {  	s30 =	sld [smem:$0x0];
	_ =	sdelay $0x2  }
0xbf: {  	s31 =	sshll.u32 s1, $0xD;
	s1 =	sshrl.u32 s1, $0x2  }
0xc0: {  	s3 =	sand.u32 $0x4000, s31;
	s1 =	sadd.s32 s1, s30  }
0xc1: {  	s0 =	sor.u32 s3, s0;
	s1 =	sshll.u32 s1, $0x11  }
0xc2: {  	s0 =	sor.u32 s1, s0  }
0xc3: {  	s0 =	sadd.s32 $0x8F2B, s0  }
0xc4: {  	[sflag:s0] =	ssyncadd.remote.s32 $0x1  }
0xc5: {  	_ =	sfence.sel $0xFFFF  }
0xc6: {  	[dreg:$0x0] =	wrdreg $0xFFFFFFFF;
	(pc) =	sbr.abs _section_cstart, $3  }
0xc7: {  	[dreg:$0x1] =	wrdreg $0xFFFFFFFF  }
0xc8: {  	_ =	task.clear_ibuf [dreg:s8], $0x2FFFF;
	_ =	strace $0x9FFFFFFF  }
0xc9: {  	(tm) =	ssettm $0x7FFFFFFF  }
tec
execute0_lowered:
.L_overlay_start_1:
0x0: {  	(tag) =	ssettag $0x1  }
0x1: {  	s1 =	rddreg [dreg:$0x0]  }
0x2: {  	s5 =	rddreg [dreg:$0x1]  }
0x3: {  	s2 =	rddreg [dreg:$0x2];
	s3 =	srdreg.scid  }
0x4: {  	s0 =	rddreg [dreg:$0x3];
	s4 =	simm.s32 $0x0;
	s12 =	simm.s32 $0x0  }
0x5: {  	s7 =	sand.u32 $0x1, s3;
	[smem:$0x7FF] =	sst s4;
	s3 =	stileid.u32  }
0x6: {  	s5 =	sadd.s32 $0x800, s5;
	s6 =	sshll.u32 s7, $0x4;
	_ =	strace $0x80000047  }
0x7: {  	s9 =	ssub.s32 $0x2, s7;
	s7 =	simm.s32 $0x2;
	s6 =	sor.u32 s3, s6  }
0x8: {  	p0 =	slt.u32 s6, $0x4;
	s8 =	sshll.u32 s6, $0x1;
	s6 =	sadd.s32 $0x4, s6  }
0x9: {  	v2 =	vlaneseq.u32;
	s31 =	sshrl.u32 s9, $0x1;
	s6 =	smov.u32 @p0 s8;
	s7 =	simm.s32 @!p0 $0x1  }
0xa: {  	vm0 =	vmmov $0xffff;
	v1 =	vshrl.u32 v2, $0x3;
	s11 =	ssub.s32 s9, s31;
	s10 =	sshll.u32 s6, $0x4;
	s9 =	sadd.s32 $0xFFFFFFFF, s7  }
0xb: {  	v0 =	vand.u32 $0x7, v2;
	v2 =	vor.u32 $0x8, v2;
	v1 =	vmul.u32 $0x8, v1;
	s8 =	sadd.s32 s5, s10;
	s10 =	smax.u32 s11, $0x1;
	s11 =	simm.s32 $0x5  }
.LBB2_1:
0xc: {  	_ =	strace $0x80000048;
	s19 =	simm.s32 $0x0  }
0xd: {  	s13 =	simm.s32 $0x0;
	s14 =	simm.s32 $0x0;
	s15 =	simm.s32 $0x0  }
0xe: {  	[tilespmem:s4], [sflag:$0x1] =	stream.linear.gather [hbm4b:s8+s4], $0x80, $0x200038;
	[tilespmem:$0x10100] =	vst v63  }
0xf: {  	s16 =	simm.s32 $0x1;
	s17 =	simm.s32 $0x0;
	_ =	strace $0x90000048  }
.LBB2_2:
0x10: {  	s18 =	sadd.s32 $0x1, s19  }
0x11: {  	p0 =	seq.s32 s18, s7  }
0x12: {  	s18 =	simm.s32 @p0 $0x0  }
0x13: {  	p3 =	slt.s32 s17, s9;
	p1 =	sne.s32 s19, s18  }
0x14: {  	p0 =	por !p3, !p1  }
0x15: {  	p0 =	por !p0, !p0  }
0x16: {  	s20 =	sadd.s32 @p0 s6, s18  }
0x17: {  	s21 =	sand.u32 @p0 $0x1, s16;
	s20 =	sshll.u32 @p0 s20, $0x4  }
0x18: {  	_ =	strace @p0 $0x80000049;
	s23 =	simm.s32 @p0 $0x0;
	s20 =	sand.u32 @p0 $0x1FFFFFF0, s20  }
0x19: {  	s22 =	sshll.u32 @p0 s21, $0x7;
	s21 =	sadd.s32 @p0 $0x1, s21;
	s20 =	sadd.s32 @p0 s5, s20  }
0x1a: {  	[tilespmem:s22], [sflag:s21] =	stream.linear.gather @p0 [hbm4b:s20+s23], $0x80, $0x200038;
	[tilespmem:$0x10100] =	vst v63  }
0x1b: {  	p2 =	seq.s32 s17, $0x0;
	s20 =	sor.u32 s9, s19  }
0x1c: {  	p3 =	seq.s32 @!p2 s20, $0x0  }
0x1d: {  	p2 =	por p2, !p3  }
0x1e: {  	_ =	strace @p0 $0x90000049;
	s21 =	sand.u32 @p2 $0x1, s15  }
0x1f: {  	_ =	strace @p2 $0x8000004A;
	s21 =	sadd.s32 @p2 $0x1, s21  }
0x20: {  	_ =	swait.ge @p2 [sflag:s21], $0x80  }
0x21: {  	[sflag:s21] =	ssyncset.done @p2 $0x0  }
0x22: {  	[sflag:s21] =	ssyncadd.s32 @p2 $0xFFFFFF80  }
0x23: {  	s28 =	sshll.u32 s15, $0x7;
	_ =	strace @p2 $0x9000004A  }
0x24: {  	s24 =	sand.u32 $0x80, s28;
	_ =	strace $0x8000004B  }
0x25: {  	v3 =	vld [tilespmem:s24+$0x0];
	_ =	sdelay $0x4  }
0x26: {  	v4 =	vshll.u32 v3, $0x1  }
0x27: {  	v3 =	vand.u32 $0x7, v3;
	v4 =	vand.u32 $0xFFFFFFF0, v4  }
0x28: {  	v3 =	vor.u32 v3, v4  }
0x29: {  	v4 =	vperm.xlane v3, v0;
	_ =	sdelay $0x1  }
0x2a: {  	v3 =	vperm.xlane v3, v2;
	v4 =	vadd.s32 v1, v4;
	_ =	sdelay $0x1  }
0x2b: {  	s21 =	sand.u32 $0x1, s14;
	v3 =	vadd.s32 v1, v3  }
0x2c: {  	s23 =	sshll.u32 s21, $0xF  }
0x2d: {  	s22 =	sor.u32 $0x100, s23  }
0x2e: {  	[tilespmem:s22], [sflag:$0x5] =	stream.indirect_vreg.gather [hbm4b:s1+s4], $0x80, v4, vm0, $0x2000b8;
	[tilespmem:$0x10100] =	vst v63  }
0x2f: {  	s25 =	sor.u32 $0x900, s23  }
0x30: {  	[tilespmem:s25], [sflag:$0x5] =	stream.indirect_vreg.gather [hbm4b:s1+s4], $0x80, v3, vm0, $0x2000b8;
	[tilespmem:$0x10100] =	vst v63  }
0x31: {  	v3 =	vld [tilespmem:s24+$0x10];
	_ =	sdelay $0x4  }
0x32: {  	v57 =	vshll.u32 v3, $0x1  }
0x33: {  	v3 =	vand.u32 $0x7, v3;
	v4 =	vand.u32 $0xFFFFFFF0, v57  }
0x34: {  	v3 =	vor.u32 v3, v4  }
0x35: {  	v4 =	vperm.xlane v3, v0;
	_ =	sdelay $0x1  }
0x36: {  	v3 =	vperm.xlane v3, v2;
	v4 =	vadd.s32 v1, v4;
	_ =	sdelay $0x1  }
0x37: {  	v3 =	vadd.s32 v1, v3;
	_ =	sdelay $0x1  }
0x38: {  	s29 =	sor.u32 $0x1100, s23  }
0x39: {  	[tilespmem:s29], [sflag:$0x5] =	stream.indirect_vreg.gather [hbm4b:s1+s4], $0x80, v4, vm0, $0x2000b8;
	[tilespmem:$0x10100] =	vst v63  }
0x3a: {  	s30 =	sor.u32 $0x1900, s23  }
0x3b: {  	[tilespmem:s30], [sflag:$0x5] =	stream.indirect_vreg.gather [hbm4b:s1+s4], $0x80, v3, vm0, $0x2000b8;
	[tilespmem:$0x10100] =	vst v63  }
0x3c: {  	v3 =	vld [tilespmem:s24+$0x20];
	_ =	sdelay $0x4  }
0x3d: {  	v58 =	vshll.u32 v3, $0x1  }
0x3e: {  	v3 =	vand.u32 $0x7, v3;
	v4 =	vand.u32 $0xFFFFFFF0, v58  }
0x3f: {  	v3 =	vor.u32 v3, v4  }
0x40: {  	v4 =	vperm.xlane v3, v0;
	_ =	sdelay $0x1  }
0x41: {  	v3 =	vperm.xlane v3, v2;
	v4 =	vadd.s32 v1, v4;
	_ =	sdelay $0x1  }
0x42: {  	v3 =	vadd.s32 v1, v3;
	_ =	sdelay $0x1  }
0x43: {  	s31 =	sor.u32 $0x2100, s23  }
0x44: {  	[tilespmem:s31], [sflag:$0x5] =	stream.indirect_vreg.gather [hbm4b:s1+s4], $0x80, v4, vm0, $0x2000b8;
	[tilespmem:$0x10100] =	vst v63  }
0x45: {  	s26 =	sor.u32 $0x2900, s23  }
0x46: {  	[tilespmem:s26], [sflag:$0x5] =	stream.indirect_vreg.gather [hbm4b:s1+s4], $0x80, v3, vm0, $0x2000b8;
	[tilespmem:$0x10100] =	vst v63  }
0x47: {  	v3 =	vld [tilespmem:s24+$0x30];
	_ =	sdelay $0x4  }
0x48: {  	v59 =	vshll.u32 v3, $0x1  }
0x49: {  	v3 =	vand.u32 $0x7, v3;
	v4 =	vand.u32 $0xFFFFFFF0, v59  }
0x4a: {  	v3 =	vor.u32 v3, v4  }
0x4b: {  	v4 =	vperm.xlane v3, v0;
	_ =	sdelay $0x1  }
0x4c: {  	v3 =	vperm.xlane v3, v2;
	v4 =	vadd.s32 v1, v4;
	_ =	sdelay $0x1  }
0x4d: {  	v3 =	vadd.s32 v1, v3;
	_ =	sdelay $0x1  }
0x4e: {  	s28 =	sor.u32 $0x3100, s23  }
0x4f: {  	[tilespmem:s28], [sflag:$0x5] =	stream.indirect_vreg.gather [hbm4b:s1+s4], $0x80, v4, vm0, $0x2000b8;
	[tilespmem:$0x10100] =	vst v63  }
0x50: {  	s29 =	sor.u32 $0x3900, s23  }
0x51: {  	[tilespmem:s29], [sflag:$0x5] =	stream.indirect_vreg.gather [hbm4b:s1+s4], $0x80, v3, vm0, $0x2000b8;
	[tilespmem:$0x10100] =	vst v63  }
0x52: {  	v3 =	vld [tilespmem:s24+$0x40];
	_ =	sdelay $0x4  }
0x53: {  	v60 =	vshll.u32 v3, $0x1  }
0x54: {  	v3 =	vand.u32 $0x7, v3;
	v4 =	vand.u32 $0xFFFFFFF0, v60  }
0x55: {  	v3 =	vor.u32 v3, v4  }
0x56: {  	v4 =	vperm.xlane v3, v0;
	_ =	sdelay $0x1  }
0x57: {  	v3 =	vperm.xlane v3, v2;
	v4 =	vadd.s32 v1, v4;
	_ =	sdelay $0x1  }
0x58: {  	v3 =	vadd.s32 v1, v3;
	_ =	sdelay $0x1  }
0x59: {  	s30 =	sor.u32 $0x4100, s23  }
0x5a: {  	[tilespmem:s30], [sflag:$0x5] =	stream.indirect_vreg.gather [hbm4b:s1+s4], $0x80, v4, vm0, $0x2000b8;
	[tilespmem:$0x10100] =	vst v63  }
0x5b: {  	s31 =	sor.u32 $0x4900, s23  }
0x5c: {  	[tilespmem:s31], [sflag:$0x5] =	stream.indirect_vreg.gather [hbm4b:s1+s4], $0x80, v3, vm0, $0x2000b8;
	[tilespmem:$0x10100] =	vst v63  }
0x5d: {  	v3 =	vld [tilespmem:s24+$0x50];
	_ =	sdelay $0x4  }
0x5e: {  	v61 =	vshll.u32 v3, $0x1  }
0x5f: {  	v3 =	vand.u32 $0x7, v3;
	v4 =	vand.u32 $0xFFFFFFF0, v61  }
0x60: {  	v3 =	vor.u32 v3, v4  }
0x61: {  	v4 =	vperm.xlane v3, v0;
	_ =	sdelay $0x1  }
0x62: {  	v3 =	vperm.xlane v3, v2;
	v4 =	vadd.s32 v1, v4;
	_ =	sdelay $0x1  }
0x63: {  	v3 =	vadd.s32 v1, v3;
	_ =	sdelay $0x1  }
0x64: {  	s26 =	sor.u32 $0x5100, s23  }
0x65: {  	[tilespmem:s26], [sflag:$0x5] =	stream.indirect_vreg.gather [hbm4b:s1+s4], $0x80, v4, vm0, $0x2000b8;
	[tilespmem:$0x10100] =	vst v63  }
0x66: {  	s28 =	sor.u32 $0x5900, s23  }
0x67: {  	[tilespmem:s28], [sflag:$0x5] =	stream.indirect_vreg.gather [hbm4b:s1+s4], $0x80, v3, vm0, $0x2000b8;
	[tilespmem:$0x10100] =	vst v63  }
0x68: {  	v3 =	vld [tilespmem:s24+$0x60];
	_ =	sdelay $0x4  }
0x69: {  	v62 =	vshll.u32 v3, $0x1  }
0x6a: {  	v3 =	vand.u32 $0x7, v3;
	v4 =	vand.u32 $0xFFFFFFF0, v62  }
0x6b: {  	v3 =	vor.u32 v3, v4  }
0x6c: {  	v4 =	vperm.xlane v3, v0;
	_ =	sdelay $0x1  }
0x6d: {  	v3 =	vperm.xlane v3, v2;
	v4 =	vadd.s32 v1, v4;
	_ =	sdelay $0x1  }
0x6e: {  	v3 =	vadd.s32 v1, v3;
	_ =	sdelay $0x1  }
0x6f: {  	s29 =	sor.u32 $0x6100, s23  }
0x70: {  	[tilespmem:s29], [sflag:$0x5] =	stream.indirect_vreg.gather [hbm4b:s1+s4], $0x80, v4, vm0, $0x2000b8;
	[tilespmem:$0x10100] =	vst v63  }
0x71: {  	s30 =	sor.u32 $0x6900, s23  }
0x72: {  	[tilespmem:s30], [sflag:$0x5] =	stream.indirect_vreg.gather [hbm4b:s1+s4], $0x80, v3, vm0, $0x2000b8;
	[tilespmem:$0x10100] =	vst v63  }
0x73: {  	v3 =	vld [tilespmem:s24+$0x70];
	_ =	sdelay $0x4  }
0x74: {  	v63 =	vshll.u32 v3, $0x1  }
0x75: {  	v3 =	vand.u32 $0x7, v3;
	v4 =	vand.u32 $0xFFFFFFF0, v63  }
0x76: {  	v3 =	vor.u32 v3, v4  }
0x77: {  	v4 =	vperm.xlane v3, v0;
	_ =	sdelay $0x1  }
0x78: {  	v3 =	vperm.xlane v3, v2;
	v4 =	vadd.s32 v1, v4;
	_ =	sdelay $0x1  }
0x79: {  	v3 =	vadd.s32 v1, v3;
	_ =	sdelay $0x1  }
0x7a: {  	p4 =	seq.s32 s9, s17;
	p6 =	sne.s32 s17, $0x0;
	s31 =	sor.u32 $0x7100, s23  }
0x7b: {  	[tilespmem:s31], [sflag:$0x5] =	stream.indirect_vreg.gather [hbm4b:s1+s4], $0x80, v4, vm0, $0x2000b8;
	[tilespmem:$0x10100] =	vst v63  }
0x7c: {  	p1 =	por p4, p1;
	s19 =	sadd.s32 s6, s19;
	s23 =	sor.u32 $0x7900, s23  }
0x7d: {  	[tilespmem:s23], [sflag:$0x5] =	stream.indirect_vreg.gather [hbm4b:s1+s4], $0x80, v3, vm0, $0x2000b8;
	[tilespmem:$0x10100] =	vst v63  }
0x7e: {  	p5 =	sne.s32 s20, $0x0;
	s19 =	sshll.u32 @p1 s19, $0xC;
	_ =	swait.ge [sflag:s11], $0x8000  }
0x7f: {  	s20 =	simm.s32 $0x1;
	s19 =	sand.u32 @p1 $0x1FFFF000, s19;
	[sflag:s11] =	ssyncset.done $0x0  }
0x80: {  	s20 =	simm.s32 @!p0 $0x0;
	s19 =	sadd.s32 @p1 s2, s19;
	[sflag:s11] =	ssyncadd.s32 $0xFFFF8000  }
0x81: {  	p2 =	por !p6, !p5;
	s21 =	sadd.s32 @p1 $0x3, s21;
	_ =	strace $0x9000004B  }
0x82: {  	p0 =	por !p2, !p2;
	s23 =	simm.s32 @p1 $0x0;
	_ =	strace @p1 $0x8000004C  }
0x83: {  	[hbm4b:s19+s23] =	stream.linear.scatter @p1 [tilespmem:s22], [sflag:s21], $0x8000, $0x200038;
	[tilespmem:$0x10100] =	vst v63  }
0x84: {  	s17 =	sadd.s32 $0x1, s17;
	s19 =	simm.s32 $0x1;
	s21 =	sand.u32 @p0 $0x1, s13  }
0x85: {  	_ =	strace @p1 $0x9000004C;
	s19 =	simm.s32 @!p1 $0x0;
	p1 =	sne.s32 s7, s17  }
.Ltmp0:
0x86: {  	s21 =	sadd.s32 @p0 $0x3, s21;
	_ =	strace @p0 $0x8000004D;
	(pc) =	sbr.rel @p1 .LBB2_2-.Ltmp0, $4  }
0x87: {  	s16 =	sadd.s32 s20, s16;
	s20 =	simm.s32 $0x1;
	_ =	swait.ge @p0 [sflag:s21], $0x8000  }
0x88: {  	s20 =	simm.s32 @!p0 $0x0;
	[sflag:s21] =	ssyncset.done @p0 $0x0  }
0x89: {  	s13 =	sadd.s32 s20, s13;
	s14 =	sadd.s32 s19, s14;
	[sflag:s21] =	ssyncadd.s32 @p0 $0xFFFF8000  }
0x8a: {  	s15 =	sadd.s32 s19, s15;
	s19 =	smov.u32 s18;
	_ =	strace @p0 $0x9000004D  }
0x8b: {  	s12 =	sadd.s32 $0x1, s12  }
0x8c: {  	s13 =	sand.u32 $0x1, s13;
	p0 =	sne.s32 s12, s10  }
.Ltmp1:
0x8d: {  	_ =	strace $0x8000004E;
	s13 =	sadd.s32 $0x3, s13;
	(pc) =	sbr.rel @p0 .LBB2_1-.Ltmp1, $4  }
0x8e: {  	_ =	swait.ge [sflag:s13], $0x8000  }
0x8f: {  	[sflag:s13] =	ssyncset.done $0x0  }
0x90: {  	[sflag:s13] =	ssyncadd.s32 $0xFFFF8000  }
0x91: {  	_ =	strace $0x9000004E  }
0x92: {  	_ =	sfence.sel $0x180000  }
0x93: {  	[bflag:$0x0] =	sbarrier.arrive $0xFFFF  }
0x94: {  	p0 =	sne.s32 s3, $0x0;
	_ =	strace $0x90000047  }
0x95: {  	s0 =	sadd.s32 @!p0 $0x100000, s0;
	[bflag:$0x2] =	sbarrier.arrive $0xFFFF  }
0x96: {  	[sflag:s0] =	ssyncadd.tile.s32 @!p0 $0x1;
	_ =	shalt  }
.Lfunc_end2:
_tile_overlayer_lowered:
.L_overlay_start_2:
0x97: {  	(tag) =	ssettag $0x2  }
0x98: {  	s0 =	rddreg [dreg:$0x0];
	s2 =	stileid.u32  }
0x99: {  	s1 =	rddreg [dreg:$0x1];
	p0 =	sne.s32 s2, $0x0  }
0x9a: {  	s3 =	rddreg [dreg:$0x2];
	[bflag:$0x3] =	sbarrier.arrive $0xFFFF;
	s2 =	simm.s32 @!p0 $0x1C01  }
0x9b: {  	[timem:s3], [sflag:s2] =	dma.local @!p0 [hbm:s0], s1  }
0x9c: {  	s0 =	simm.s32 @!p0 $0x1  }
0x9d: {  	_ =	swait.ge @!p0 [sflag:s0], s1  }
0x9e: {  	s1 =	ssub.s32 @!p0 $0x0, s1;
	[sflag:s0] =	ssyncset.done @!p0 $0x0  }
0x9f: {  	[sflag:s0] =	ssyncadd.s32 @!p0 s1  }
0xa0: {  	[bflag:$0x3] =	sbarrier.arrive $0xFFFF  }
0xa1: {  	_ =	shalt  }

</sc_bundles>
